<compile_context>
chip_gen: v7x
topology: tpu7x:2x2x1
jax: 0.10.2.dev20260603
libtpu: 0.0.44.dev20260713+nightly
codegen_flags: <defaults>
</compile_context>

<pallas_src>
import functools
import jax
import jax.numpy as jnp
from jax import lax
from jax.experimental import pallas as pl
from jax.experimental.pallas import tpu as pltpu
from jax.experimental.pallas import tpu_sc as plsc

_DEPTH = 1000
_ROWS = 4096
_COLS = 26
_NW = 32
_RPW = _ROWS // _NW
_CH = 1
_NCHUNK = _RPW // _CH


@functools.partial(
    pl.kernel,
    out_type=jax.ShapeDtypeStruct((_ROWS, _COLS, _DEPTH), jnp.float32),
    mesh=plsc.VectorSubcoreMesh(core_axis_name="c", subcore_axis_name="s"),
    compiler_params=pltpu.CompilerParams(
        use_tc_tiling_on_sc=True, needs_layout_passes=False,
        skip_device_barrier=True),
    scratch_types=[
        pltpu.VMEM((_RPW * _COLS,), jnp.int32),
        pltpu.VMEM((_CH, _COLS, _DEPTH), jnp.float32),
        pltpu.VMEM((_CH, _COLS, _DEPTH), jnp.float32),
        pltpu.SemaphoreType.DMA,
        pltpu.SemaphoreType.DMA,
    ],
)
def _sc_body(ids_hbm, out_hbm, ids_v, buf0, buf1, sem0, sem1):
    wid = lax.axis_index("s") * 2 + lax.axis_index("c")
    row0 = wid * _RPW
    pltpu.sync_copy(ids_hbm.at[pl.ds(row0 * _COLS, _RPW * _COLS)], ids_v)

    bufs = (buf0, buf1)
    sems = (sem0, sem1)
    iota = lax.iota(jnp.int32, 16)
    ones = jnp.full((16,), 1.0, jnp.float32)
    zeros = jnp.zeros((16,), jnp.float32)

    def _zinit(j, carry):
        for r in range(_CH):
            for buf in bufs:
                for k in range(62):
                    buf[r, j, pl.ds(k * 16, 16)] = zeros
                buf[r, j, pl.ds(_DEPTH - 16, 16)] = zeros
        return carry

    lax.fori_loop(0, _COLS, _zinit, 0)

    def _scatter(buf, c, val):
        for r in range(_CH):
            off = (c * _CH + r) * _COLS
            ca = ids_v[pl.ds(off, 16)]
            cb = ids_v[pl.ds(off + (_COLS - 16), 16)]
            rr = jnp.full((16,), r, jnp.int32)
            plsc.store_scatter(buf, [rr, iota, ca], val)
            plsc.store_scatter(buf, [rr, iota + (_COLS - 16), cb], val)

    def _dma(buf, sem, c):
        return pltpu.make_async_copy(
            buf, out_hbm.at[pl.ds(row0 + c * _CH, _CH)], sem)

    for b in range(2):
        _scatter(bufs[b], b, ones)
        _dma(bufs[b], sems[b], b).start()

    def _pair(p, carry):
        for b in range(2):
            c = p * 2 + b
            _dma(bufs[b], sems[b], c - 2).wait()
            _scatter(bufs[b], c - 2, zeros)
            _scatter(bufs[b], c, ones)
            _dma(bufs[b], sems[b], c).start()
        return carry

    lax.fori_loop(1, _NCHUNK // 2, _pair, 0)

    for b in range(2):
        _dma(bufs[b], sems[b], _NCHUNK - 2 + b).wait()


def kernel(inputs):
    ids = inputs.astype(jnp.int32).reshape(-1)
    return _sc_body(ids)

# --- scband reference (transcript-rebuilt; emitter-appended) ---
"""Pipeline reference for scband-one-hot-encoder-33380485825317 (READ-ONLY COPY).

The authoritative reference and input builder live on the scoring server;
editing this copy changes nothing except your own understanding.
"""

import jax, jax.numpy as jnp
import numpy as np

DEPTH = 1000

def setup_inputs(seed: int = 0) -> dict:
    key = jax.random.key(seed)
    inputs = jax.random.randint(key, (4096, 26), 0, DEPTH, dtype=jnp.int64)
    return {"inputs": inputs}

def reference(inputs) -> jnp.ndarray:
    inputs = inputs.astype(jnp.int64)
    out = jax.nn.one_hot(inputs, DEPTH, dtype=jnp.float32)
    return out

if __name__ == "__main__":
    import jax
    _d = setup_inputs()
    print(jax.jit(kernel)(*tuple(_d.values())))

</pallas_src>

<mosaic_0001>
#map = affine_map<(d0, d1) -> (0)>
#map1 = affine_map<(d0, d1) -> (0, 0, 0)>
module attributes {stable_mosaic.version = 14 : i64} {
  func.func @_sc_body(%arg0: i32, %arg1: i32, %arg2: memref<106496xi32, #tpu.memory_space<hbm>>, %arg3: memref<4096x26x1000xf32, #tpu.memory_space<hbm>>, %arg4: memref<3328xi32, #tpu.memory_space<vmem>>, %arg5: memref<1x26x1000xf32, #tpu.memory_space<vmem>>, %arg6: memref<1x26x1000xf32, #tpu.memory_space<vmem>>, %arg7: memref<!tpu.dma_semaphore, #tpu.memory_space<semaphore_mem>>, %arg8: memref<!tpu.dma_semaphore, #tpu.memory_space<semaphore_mem>>) attributes {dimension_semantics = [#tpu.dimension_semantics<core_parallel>, #tpu.dimension_semantics<subcore_parallel>], iteration_bounds = array<i64: 2, 16>, scalar_prefetch = 0 : i64, scratch_operands = 5 : i64, tpu.core_type = #tpu.core_type<sc_vector_subcore>, window_params = [{transform_indices = #map}, {transform_indices = #map1}]} {
    %mul3A = arith.constant 2 : i32
    %mul3A_0 = arith.muli %arg1, %mul3A : i32
    %add3A = arith.addi %mul3A_0, %arg0 : i32
    %mul3A_1 = arith.constant 128 : i32
    %mul3A_2 = arith.muli %add3A, %mul3A_1 : i32
    %mul3A_3 = arith.constant 26 : i32
    %mul3A_4 = arith.muli %mul3A_2, %mul3A_3 : i32
    "tpu.region"() ({
      %run_scoped3A = tpu.sem_alloc : memref<!tpu.dma_semaphore, #tpu.memory_space<semaphore_mem>>
      %dma_start3A_66 = tpu.memref_slice %arg2[%mul3A_4] : memref<106496xi32, #tpu.memory_space<hbm>> -> memref<3328xi32, #tpu.memory_space<hbm>>
      %dma_start3A_67 = tpu.memref_slice %arg2[%mul3A_4] : memref<106496xi32, #tpu.memory_space<hbm>> -> memref<3328xi32, #tpu.memory_space<hbm>>
      tpu.enqueue_dma source(%dma_start3A_67 : memref<3328xi32, #tpu.memory_space<hbm>>) target(%arg4 : memref<3328xi32, #tpu.memory_space<vmem>>) target_semaphore(%run_scoped3A : memref<!tpu.dma_semaphore, #tpu.memory_space<semaphore_mem>>)
      %dma_wait3A_68 = tpu.memref_slice %arg2[%mul3A_4] : memref<106496xi32, #tpu.memory_space<hbm>> -> memref<3328xi32, #tpu.memory_space<hbm>>
      %dma_wait3A_69 = tpu.memref_slice %arg2[%mul3A_4] : memref<106496xi32, #tpu.memory_space<hbm>> -> memref<3328xi32, #tpu.memory_space<hbm>>
      tpu.wait_dma2 semaphore(%run_scoped3A : memref<!tpu.dma_semaphore, #tpu.memory_space<semaphore_mem>>) src(%dma_wait3A_69 : memref<3328xi32, #tpu.memory_space<hbm>>) dst(%arg4 : memref<3328xi32, #tpu.memory_space<vmem>>)
      tpu.yield
    }) : () -> ()
    %iota3A = tpu.iota {dimensions = array<i32: 0>} : vector<16xi32>
    %broadcast_in_dim3A = arith.constant 1.000000e+00 : f32
    %broadcast_in_dim3A_5 = vector.broadcast %broadcast_in_dim3A : f32 to vector<16xf32>
    %broadcast_in_dim3A_6 = arith.constant 0.000000e+00 : f32
    %broadcast_in_dim3A_7 = vector.broadcast %broadcast_in_dim3A_6 : f32 to vector<16xf32>
    %scan3A = arith.constant 0 : i32
    %scan3A_8 = arith.constant 0 : i32
    %scan3A_9 = arith.constant 26 : i32
    %scan3A_10 = arith.addi %scan3A_8, %scan3A_9 : i32
    %scan3A_11 = arith.constant 1 : i32
    scf.for %scan3A_66 = %scan3A_8 to %scan3A_10 step %scan3A_11  : i32 {
      %swap3A = arith.constant 0 : i32
      %swap3A_67 = arith.index_cast %swap3A : i32 to index
      %swap3A_68 = arith.index_cast %scan3A_66 : i32 to index
      %swap3A_69 = arith.constant 0 : index
      %swap3A_70 = tpu.vector_load %arg5[%swap3A_67, %swap3A_68, %swap3A_69] {strides = array<i32>} : memref<1x26x1000xf32, #tpu.memory_space<vmem>>, vector<16xf32>,
      tpu.vector_store %arg5[%swap3A_67, %swap3A_68, %swap3A_69], %broadcast_in_dim3A_7 {strides = array<i32>} : memref<1x26x1000xf32, #tpu.memory_space<vmem>>, vector<16xf32>,
      %swap3A_71 = arith.constant 0 : i32
      %swap3A_72 = arith.index_cast %swap3A_71 : i32 to index
      %swap3A_73 = arith.index_cast %scan3A_66 : i32 to index
      %swap3A_74 = arith.constant 16 : index
      %swap3A_75 = tpu.vector_load %arg5[%swap3A_72, %swap3A_73, %swap3A_74] {strides = array<i32>} : memref<1x26x1000xf32, #tpu.memory_space<vmem>>, vector<16xf32>,
      tpu.vector_store %arg5[%swap3A_72, %swap3A_73, %swap3A_74], %broadcast_in_dim3A_7 {strides = array<i32>} : memref<1x26x1000xf32, #tpu.memory_space<vmem>>, vector<16xf32>,
      %swap3A_76 = arith.constant 0 : i32
      %swap3A_77 = arith.index_cast %swap3A_76 : i32 to index
      %swap3A_78 = arith.index_cast %scan3A_66 : i32 to index
      %swap3A_79 = arith.constant 32 : index
      %swap3A_80 = tpu.vector_load %arg5[%swap3A_77, %swap3A_78, %swap3A_79] {strides = array<i32>} : memref<1x26x1000xf32, #tpu.memory_space<vmem>>, vector<16xf32>,
      tpu.vector_store %arg5[%swap3A_77, %swap3A_78, %swap3A_79], %broadcast_in_dim3A_7 {strides = array<i32>} : memref<1x26x1000xf32, #tpu.memory_space<vmem>>, vector<16xf32>,
      %swap3A_81 = arith.constant 0 : i32
      %swap3A_82 = arith.index_cast %swap3A_81 : i32 to index
      %swap3A_83 = arith.index_cast %scan3A_66 : i32 to index
      %swap3A_84 = arith.constant 48 : index
      %swap3A_85 = tpu.vector_load %arg5[%swap3A_82, %swap3A_83, %swap3A_84] {strides = array<i32>} : memref<1x26x1000xf32, #tpu.memory_space<vmem>>, vector<16xf32>,
      tpu.vector_store %arg5[%swap3A_82, %swap3A_83, %swap3A_84], %broadcast_in_dim3A_7 {strides = array<i32>} : memref<1x26x1000xf32, #tpu.memory_space<vmem>>, vector<16xf32>,
      %swap3A_86 = arith.constant 0 : i32
      %swap3A_87 = arith.index_cast %swap3A_86 : i32 to index
      %swap3A_88 = arith.index_cast %scan3A_66 : i32 to index
      %swap3A_89 = arith.constant 64 : index
      %swap3A_90 = tpu.vector_load %arg5[%swap3A_87, %swap3A_88, %swap3A_89] {strides = array<i32>} : memref<1x26x1000xf32, #tpu.memory_space<vmem>>, vector<16xf32>,
      tpu.vector_store %arg5[%swap3A_87, %swap3A_88, %swap3A_89], %broadcast_in_dim3A_7 {strides = array<i32>} : memref<1x26x1000xf32, #tpu.memory_space<vmem>>, vector<16xf32>,
      %swap3A_91 = arith.constant 0 : i32
      %swap3A_92 = arith.index_cast %swap3A_91 : i32 to index
      %swap3A_93 = arith.index_cast %scan3A_66 : i32 to index
      %swap3A_94 = arith.constant 80 : index
      %swap3A_95 = tpu.vector_load %arg5[%swap3A_92, %swap3A_93, %swap3A_94] {strides = array<i32>} : memref<1x26x1000xf32, #tpu.memory_space<vmem>>, vector<16xf32>,
      tpu.vector_store %arg5[%swap3A_92, %swap3A_93, %swap3A_94], %broadcast_in_dim3A_7 {strides = array<i32>} : memref<1x26x1000xf32, #tpu.memory_space<vmem>>, vector<16xf32>,
      %swap3A_96 = arith.constant 0 : i32
      %swap3A_97 = arith.index_cast %swap3A_96 : i32 to index
      %swap3A_98 = arith.index_cast %scan3A_66 : i32 to index
      %swap3A_99 = arith.constant 96 : index
      %swap3A_100 = tpu.vector_load %arg5[%swap3A_97, %swap3A_98, %swap3A_99] {strides = array<i32>} : memref<1x26x1000xf32, #tpu.memory_space<vmem>>, vector<16xf32>,
      tpu.vector_store %arg5[%swap3A_97, %swap3A_98, %swap3A_99], %broadcast_in_dim3A_7 {strides = array<i32>} : memref<1x26x1000xf32, #tpu.memory_space<vmem>>, vector<16xf32>,
      %swap3A_101 = arith.constant 0 : i32
      %swap3A_102 = arith.index_cast %swap3A_101 : i32 to index
      %swap3A_103 = arith.index_cast %scan3A_66 : i32 to index
      %swap3A_104 = arith.constant 112 : index
      %swap3A_105 = tpu.vector_load %arg5[%swap3A_102, %swap3A_103, %swap3A_104] {strides = array<i32>} : memref<1x26x1000xf32, #tpu.memory_space<vmem>>, vector<16xf32>,
      tpu.vector_store %arg5[%swap3A_102, %swap3A_103, %swap3A_104], %broadcast_in_dim3A_7 {strides = array<i32>} : memref<1x26x1000xf32, #tpu.memory_space<vmem>>, vector<16xf32>,
      %swap3A_106 = arith.constant 0 : i32
      %swap3A_107 = arith.index_cast %swap3A_106 : i32 to index
      %swap3A_108 = arith.index_cast %scan3A_66 : i32 to index
      %swap3A_109 = arith.constant 128 : index
      %swap3A_110 = tpu.vector_load %arg5[%swap3A_107, %swap3A_108, %swap3A_109] {strides = array<i32>} : memref<1x26x1000xf32, #tpu.memory_space<vmem>>, vector<16xf32>,
      tpu.vector_store %arg5[%swap3A_107, %swap3A_108, %swap3A_109], %broadcast_in_dim3A_7 {strides = array<i32>} : memref<1x26x1000xf32, #tpu.memory_space<vmem>>, vector<16xf32>,
      %swap3A_111 = arith.constant 0 : i32
      %swap3A_112 = arith.index_cast %swap3A_111 : i32 to index
      %swap3A_113 = arith.index_cast %scan3A_66 : i32 to index
      %swap3A_114 = arith.constant 144 : index
      %swap3A_115 = tpu.vector_load %arg5[%swap3A_112, %swap3A_113, %swap3A_114] {strides = array<i32>} : memref<1x26x1000xf32, #tpu.memory_space<vmem>>, vector<16xf32>,
      tpu.vector_store %arg5[%swap3A_112, %swap3A_113, %swap3A_114], %broadcast_in_dim3A_7 {strides = array<i32>} : memref<1x26x1000xf32, #tpu.memory_space<vmem>>, vector<16xf32>,
      %swap3A_116 = arith.constant 0 : i32
      %swap3A_117 = arith.index_cast %swap3A_116 : i32 to index
      %swap3A_118 = arith.index_cast %scan3A_66 : i32 to index
      %swap3A_119 = arith.constant 160 : index
      %swap3A_120 = tpu.vector_load %arg5[%swap3A_117, %swap3A_118, %swap3A_119] {strides = array<i32>} : memref<1x26x1000xf32, #tpu.memory_space<vmem>>, vector<16xf32>,
      tpu.vector_store %arg5[%swap3A_117, %swap3A_118, %swap3A_119], %broadcast_in_dim3A_7 {strides = array<i32>} : memref<1x26x1000xf32, #tpu.memory_space<vmem>>, vector<16xf32>,
      %swap3A_121 = arith.constant 0 : i32
      %swap3A_122 = arith.index_cast %swap3A_121 : i32 to index
      %swap3A_123 = arith.index_cast %scan3A_66 : i32 to index
      %swap3A_124 = arith.constant 176 : index
      %swap3A_125 = tpu.vector_load %arg5[%swap3A_122, %swap3A_123, %swap3A_124] {strides = array<i32>} : memref<1x26x1000xf32, #tpu.memory_space<vmem>>, vector<16xf32>,
      tpu.vector_store %arg5[%swap3A_122, %swap3A_123, %swap3A_124], %broadcast_in_dim3A_7 {strides = array<i32>} : memref<1x26x1000xf32, #tpu.memory_space<vmem>>, vector<16xf32>,
      %swap3A_126 = arith.constant 0 : i32
      %swap3A_127 = arith.index_cast %swap3A_126 : i32 to index
      %swap3A_128 = arith.index_cast %scan3A_66 : i32 to index
      %swap3A_129 = arith.constant 192 : index
      %swap3A_130 = tpu.vector_load %arg5[%swap3A_127, %swap3A_128, %swap3A_129] {strides = array<i32>} : memref<1x26x1000xf32, #tpu.memory_space<vmem>>, vector<16xf32>,
      tpu.vector_store %arg5[%swap3A_127, %swap3A_128, %swap3A_129], %broadcast_in_dim3A_7 {strides = array<i32>} : memref<1x26x1000xf32, #tpu.memory_space<vmem>>, vector<16xf32>,
      %swap3A_131 = arith.constant 0 : i32
      %swap3A_132 = arith.index_cast %swap3A_131 : i32 to index
      %swap3A_133 = arith.index_cast %scan3A_66 : i32 to index
      %swap3A_134 = arith.constant 208 : index
      %swap3A_135 = tpu.vector_load %arg5[%swap3A_132, %swap3A_133, %swap3A_134] {strides = array<i32>} : memref<1x26x1000xf32, #tpu.memory_space<vmem>>, vector<16xf32>,
      tpu.vector_store %arg5[%swap3A_132, %swap3A_133, %swap3A_134], %broadcast_in_dim3A_7 {strides = array<i32>} : memref<1x26x1000xf32, #tpu.memory_space<vmem>>, vector<16xf32>,
      %swap3A_136 = arith.constant 0 : i32
      %swap3A_137 = arith.index_cast %swap3A_136 : i32 to index
      %swap3A_138 = arith.index_cast %scan3A_66 : i32 to index
      %swap3A_139 = arith.constant 224 : index
      %swap3A_140 = tpu.vector_load %arg5[%swap3A_137, %swap3A_138, %swap3A_139] {strides = array<i32>} : memref<1x26x1000xf32, #tpu.memory_space<vmem>>, vector<16xf32>,
      tpu.vector_store %arg5[%swap3A_137, %swap3A_138, %swap3A_139], %broadcast_in_dim3A_7 {strides = array<i32>} : memref<1x26x1000xf32, #tpu.memory_space<vmem>>, vector<16xf32>,
      %swap3A_141 = arith.constant 0 : i32
      %swap3A_142 = arith.index_cast %swap3A_141 : i32 to index
      %swap3A_143 = arith.index_cast %scan3A_66 : i32 to index
      %swap3A_144 = arith.constant 240 : index
      %swap3A_145 = tpu.vector_load %arg5[%swap3A_142, %swap3A_143, %swap3A_144] {strides = array<i32>} : memref<1x26x1000xf32, #tpu.memory_space<vmem>>, vector<16xf32>,
      tpu.vector_store %arg5[%swap3A_142, %swap3A_143, %swap3A_144], %broadcast_in_dim3A_7 {strides = array<i32>} : memref<1x26x1000xf32, #tpu.memory_space<vmem>>, vector<16xf32>,
      %swap3A_146 = arith.constant 0 : i32
      %swap3A_147 = arith.index_cast %swap3A_146 : i32 to index
      %swap3A_148 = arith.index_cast %scan3A_66 : i32 to index
      %swap3A_149 = arith.constant 256 : index
      %swap3A_150 = tpu.vector_load %arg5[%swap3A_147, %swap3A_148, %swap3A_149] {strides = array<i32>} : memref<1x26x1000xf32, #tpu.memory_space<vmem>>, vector<16xf32>,
      tpu.vector_store %arg5[%swap3A_147, %swap3A_148, %swap3A_149], %broadcast_in_dim3A_7 {strides = array<i32>} : memref<1x26x1000xf32, #tpu.memory_space<vmem>>, vector<16xf32>,
      %swap3A_151 = arith.constant 0 : i32
      %swap3A_152 = arith.index_cast %swap3A_151 : i32 to index
      %swap3A_153 = arith.index_cast %scan3A_66 : i32 to index
      %swap3A_154 = arith.constant 272 : index
      %swap3A_155 = tpu.vector_load %arg5[%swap3A_152, %swap3A_153, %swap3A_154] {strides = array<i32>} : memref<1x26x1000xf32, #tpu.memory_space<vmem>>, vector<16xf32>,
      tpu.vector_store %arg5[%swap3A_152, %swap3A_153, %swap3A_154], %broadcast_in_dim3A_7 {strides = array<i32>} : memref<1x26x1000xf32, #tpu.memory_space<vmem>>, vector<16xf32>,
      %swap3A_156 = arith.constant 0 : i32
      %swap3A_157 = arith.index_cast %swap3A_156 : i32 to index
      %swap3A_158 = arith.index_cast %scan3A_66 : i32 to index
      %swap3A_159 = arith.constant 288 : index
      %swap3A_160 = tpu.vector_load %arg5[%swap3A_157, %swap3A_158, %swap3A_159] {strides = array<i32>} : memref<1x26x1000xf32, #tpu.memory_space<vmem>>, vector<16xf32>,
      tpu.vector_store %arg5[%swap3A_157, %swap3A_158, %swap3A_159], %broadcast_in_dim3A_7 {strides = array<i32>} : memref<1x26x1000xf32, #tpu.memory_space<vmem>>, vector<16xf32>,
      %swap3A_161 = arith.constant 0 : i32
      %swap3A_162 = arith.index_cast %swap3A_161 : i32 to index
      %swap3A_163 = arith.index_cast %scan3A_66 : i32 to index
      %swap3A_164 = arith.constant 304 : index
      %swap3A_165 = tpu.vector_load %arg5[%swap3A_162, %swap3A_163, %swap3A_164] {strides = array<i32>} : memref<1x26x1000xf32, #tpu.memory_space<vmem>>, vector<16xf32>,
      tpu.vector_store %arg5[%swap3A_162, %swap3A_163, %swap3A_164], %broadcast_in_dim3A_7 {strides = array<i32>} : memref<1x26x1000xf32, #tpu.memory_space<vmem>>, vector<16xf32>,
      %swap3A_166 = arith.constant 0 : i32
      %swap3A_167 = arith.index_cast %swap3A_166 : i32 to index
      %swap3A_168 = arith.index_cast %scan3A_66 : i32 to index
      %swap3A_169 = arith.constant 320 : index
      %swap3A_170 = tpu.vector_load %arg5[%swap3A_167, %swap3A_168, %swap3A_169] {strides = array<i32>} : memref<1x26x1000xf32, #tpu.memory_space<vmem>>, vector<16xf32>,
      tpu.vector_store %arg5[%swap3A_167, %swap3A_168, %swap3A_169], %broadcast_in_dim3A_7 {strides = array<i32>} : memref<1x26x1000xf32, #tpu.memory_space<vmem>>, vector<16xf32>,
      %swap3A_171 = arith.constant 0 : i32
      %swap3A_172 = arith.index_cast %swap3A_171 : i32 to index
      %swap3A_173 = arith.index_cast %scan3A_66 : i32 to index
      %swap3A_174 = arith.constant 336 : index
      %swap3A_175 = tpu.vector_load %arg5[%swap3A_172, %swap3A_173, %swap3A_174] {strides = array<i32>} : memref<1x26x1000xf32, #tpu.memory_space<vmem>>, vector<16xf32>,
      tpu.vector_store %arg5[%swap3A_172, %swap3A_173, %swap3A_174], %broadcast_in_dim3A_7 {strides = array<i32>} : memref<1x26x1000xf32, #tpu.memory_space<vmem>>, vector<16xf32>,
      %swap3A_176 = arith.constant 0 : i32
      %swap3A_177 = arith.index_cast %swap3A_176 : i32 to index
      %swap3A_178 = arith.index_cast %scan3A_66 : i32 to index
      %swap3A_179 = arith.constant 352 : index
      %swap3A_180 = tpu.vector_load %arg5[%swap3A_177, %swap3A_178, %swap3A_179] {strides = array<i32>} : memref<1x26x1000xf32, #tpu.memory_space<vmem>>, vector<16xf32>,
      tpu.vector_store %arg5[%swap3A_177, %swap3A_178, %swap3A_179], %broadcast_in_dim3A_7 {strides = array<i32>} : memref<1x26x1000xf32, #tpu.memory_space<vmem>>, vector<16xf32>,
      %swap3A_181 = arith.constant 0 : i32
      %swap3A_182 = arith.index_cast %swap3A_181 : i32 to index
      %swap3A_183 = arith.index_cast %scan3A_66 : i32 to index
      %swap3A_184 = arith.constant 368 : index
      %swap3A_185 = tpu.vector_load %arg5[%swap3A_182, %swap3A_183, %swap3A_184] {strides = array<i32>} : memref<1x26x1000xf32, #tpu.memory_space<vmem>>, vector<16xf32>,
      tpu.vector_store %arg5[%swap3A_182, %swap3A_183, %swap3A_184], %broadcast_in_dim3A_7 {strides = array<i32>} : memref<1x26x1000xf32, #tpu.memory_space<vmem>>, vector<16xf32>,
      %swap3A_186 = arith.constant 0 : i32
      %swap3A_187 = arith.index_cast %swap3A_186 : i32 to index
      %swap3A_188 = arith.index_cast %scan3A_66 : i32 to index
      %swap3A_189 = arith.constant 384 : index
      %swap3A_190 = tpu.vector_load %arg5[%swap3A_187, %swap3A_188, %swap3A_189] {strides = array<i32>} : memref<1x26x1000xf32, #tpu.memory_space<vmem>>, vector<16xf32>,
      tpu.vector_store %arg5[%swap3A_187, %swap3A_188, %swap3A_189], %broadcast_in_dim3A_7 {strides = array<i32>} : memref<1x26x1000xf32, #tpu.memory_space<vmem>>, vector<16xf32>,
      %swap3A_191 = arith.constant 0 : i32
      %swap3A_192 = arith.index_cast %swap3A_191 : i32 to index
      %swap3A_193 = arith.index_cast %scan3A_66 : i32 to index
      %swap3A_194 = arith.constant 400 : index
      %swap3A_195 = tpu.vector_load %arg5[%swap3A_192, %swap3A_193, %swap3A_194] {strides = array<i32>} : memref<1x26x1000xf32, #tpu.memory_space<vmem>>, vector<16xf32>,
      tpu.vector_store %arg5[%swap3A_192, %swap3A_193, %swap3A_194], %broadcast_in_dim3A_7 {strides = array<i32>} : memref<1x26x1000xf32, #tpu.memory_space<vmem>>, vector<16xf32>,
      %swap3A_196 = arith.constant 0 : i32
      %swap3A_197 = arith.index_cast %swap3A_196 : i32 to index
      %swap3A_198 = arith.index_cast %scan3A_66 : i32 to index
      %swap3A_199 = arith.constant 416 : index
      %swap3A_200 = tpu.vector_load %arg5[%swap3A_197, %swap3A_198, %swap3A_199] {strides = array<i32>} : memref<1x26x1000xf32, #tpu.memory_space<vmem>>, vector<16xf32>,
      tpu.vector_store %arg5[%swap3A_197, %swap3A_198, %swap3A_199], %broadcast_in_dim3A_7 {strides = array<i32>} : memref<1x26x1000xf32, #tpu.memory_space<vmem>>, vector<16xf32>,
      %swap3A_201 = arith.constant 0 : i32
      %swap3A_202 = arith.index_cast %swap3A_201 : i32 to index
      %swap3A_203 = arith.index_cast %scan3A_66 : i32 to index
      %swap3A_204 = arith.constant 432 : index
      %swap3A_205 = tpu.vector_load %arg5[%swap3A_202, %swap3A_203, %swap3A_204] {strides = array<i32>} : memref<1x26x1000xf32, #tpu.memory_space<vmem>>, vector<16xf32>,
      tpu.vector_store %arg5[%swap3A_202, %swap3A_203, %swap3A_204], %broadcast_in_dim3A_7 {strides = array<i32>} : memref<1x26x1000xf32, #tpu.memory_space<vmem>>, vector<16xf32>,
      %swap3A_206 = arith.constant 0 : i32
      %swap3A_207 = arith.index_cast %swap3A_206 : i32 to index
      %swap3A_208 = arith.index_cast %scan3A_66 : i32 to index
      %swap3A_209 = arith.constant 448 : index
      %swap3A_210 = tpu.vector_load %arg5[%swap3A_207, %swap3A_208, %swap3A_209] {strides = array<i32>} : memref<1x26x1000xf32, #tpu.memory_space<vmem>>, vector<16xf32>,
      tpu.vector_store %arg5[%swap3A_207, %swap3A_208, %swap3A_209], %broadcast_in_dim3A_7 {strides = array<i32>} : memref<1x26x1000xf32, #tpu.memory_space<vmem>>, vector<16xf32>,
      %swap3A_211 = arith.constant 0 : i32
      %swap3A_212 = arith.index_cast %swap3A_211 : i32 to index
      %swap3A_213 = arith.index_cast %scan3A_66 : i32 to index
      %swap3A_214 = arith.constant 464 : index
      %swap3A_215 = tpu.vector_load %arg5[%swap3A_212, %swap3A_213, %swap3A_214] {strides = array<i32>} : memref<1x26x1000xf32, #tpu.memory_space<vmem>>, vector<16xf32>,
      tpu.vector_store %arg5[%swap3A_212, %swap3A_213, %swap3A_214], %broadcast_in_dim3A_7 {strides = array<i32>} : memref<1x26x1000xf32, #tpu.memory_space<vmem>>, vector<16xf32>,
      %swap3A_216 = arith.constant 0 : i32
      %swap3A_217 = arith.index_cast %swap3A_216 : i32 to index
      %swap3A_218 = arith.index_cast %scan3A_66 : i32 to index
      %swap3A_219 = arith.constant 480 : index
      %swap3A_220 = tpu.vector_load %arg5[%swap3A_217, %swap3A_218, %swap3A_219] {strides = array<i32>} : memref<1x26x1000xf32, #tpu.memory_space<vmem>>, vector<16xf32>,
      tpu.vector_store %arg5[%swap3A_217, %swap3A_218, %swap3A_219], %broadcast_in_dim3A_7 {strides = array<i32>} : memref<1x26x1000xf32, #tpu.memory_space<vmem>>, vector<16xf32>,
      %swap3A_221 = arith.constant 0 : i32
      %swap3A_222 = arith.index_cast %swap3A_221 : i32 to index
      %swap3A_223 = arith.index_cast %scan3A_66 : i32 to index
      %swap3A_224 = arith.constant 496 : index
      %swap3A_225 = tpu.vector_load %arg5[%swap3A_222, %swap3A_223, %swap3A_224] {strides = array<i32>} : memref<1x26x1000xf32, #tpu.memory_space<vmem>>, vector<16xf32>,
      tpu.vector_store %arg5[%swap3A_222, %swap3A_223, %swap3A_224], %broadcast_in_dim3A_7 {strides = array<i32>} : memref<1x26x1000xf32, #tpu.memory_space<vmem>>, vector<16xf32>,
      %swap3A_226 = arith.constant 0 : i32
      %swap3A_227 = arith.index_cast %swap3A_226 : i32 to index
      %swap3A_228 = arith.index_cast %scan3A_66 : i32 to index
      %swap3A_229 = arith.constant 512 : index
      %swap3A_230 = tpu.vector_load %arg5[%swap3A_227, %swap3A_228, %swap3A_229] {strides = array<i32>} : memref<1x26x1000xf32, #tpu.memory_space<vmem>>, vector<16xf32>,
      tpu.vector_store %arg5[%swap3A_227, %swap3A_228, %swap3A_229], %broadcast_in_dim3A_7 {strides = array<i32>} : memref<1x26x1000xf32, #tpu.memory_space<vmem>>, vector<16xf32>,
      %swap3A_231 = arith.constant 0 : i32
      %swap3A_232 = arith.index_cast %swap3A_231 : i32 to index
      %swap3A_233 = arith.index_cast %scan3A_66 : i32 to index
      %swap3A_234 = arith.constant 528 : index
      %swap3A_235 = tpu.vector_load %arg5[%swap3A_232, %swap3A_233, %swap3A_234] {strides = array<i32>} : memref<1x26x1000xf32, #tpu.memory_space<vmem>>, vector<16xf32>,
      tpu.vector_store %arg5[%swap3A_232, %swap3A_233, %swap3A_234], %broadcast_in_dim3A_7 {strides = array<i32>} : memref<1x26x1000xf32, #tpu.memory_space<vmem>>, vector<16xf32>,
      %swap3A_236 = arith.constant 0 : i32
      %swap3A_237 = arith.index_cast %swap3A_236 : i32 to index
      %swap3A_238 = arith.index_cast %scan3A_66 : i32 to index
      %swap3A_239 = arith.constant 544 : index
      %swap3A_240 = tpu.vector_load %arg5[%swap3A_237, %swap3A_238, %swap3A_239] {strides = array<i32>} : memref<1x26x1000xf32, #tpu.memory_space<vmem>>, vector<16xf32>,
      tpu.vector_store %arg5[%swap3A_237, %swap3A_238, %swap3A_239], %broadcast_in_dim3A_7 {strides = array<i32>} : memref<1x26x1000xf32, #tpu.memory_space<vmem>>, vector<16xf32>,
      %swap3A_241 = arith.constant 0 : i32
      %swap3A_242 = arith.index_cast %swap3A_241 : i32 to index
      %swap3A_243 = arith.index_cast %scan3A_66 : i32 to index
      %swap3A_244 = arith.constant 560 : index
      %swap3A_245 = tpu.vector_load %arg5[%swap3A_242, %swap3A_243, %swap3A_244] {strides = array<i32>} : memref<1x26x1000xf32, #tpu.memory_space<vmem>>, vector<16xf32>,
      tpu.vector_store %arg5[%swap3A_242, %swap3A_243, %swap3A_244], %broadcast_in_dim3A_7 {strides = array<i32>} : memref<1x26x1000xf32, #tpu.memory_space<vmem>>, vector<16xf32>,
      %swap3A_246 = arith.constant 0 : i32
      %swap3A_247 = arith.index_cast %swap3A_246 : i32 to index
      %swap3A_248 = arith.index_cast %scan3A_66 : i32 to index
      %swap3A_249 = arith.constant 576 : index
      %swap3A_250 = tpu.vector_load %arg5[%swap3A_247, %swap3A_248, %swap3A_249] {strides = array<i32>} : memref<1x26x1000xf32, #tpu.memory_space<vmem>>, vector<16xf32>,
      tpu.vector_store %arg5[%swap3A_247, %swap3A_248, %swap3A_249], %broadcast_in_dim3A_7 {strides = array<i32>} : memref<1x26x1000xf32, #tpu.memory_space<vmem>>, vector<16xf32>,
      %swap3A_251 = arith.constant 0 : i32
      %swap3A_252 = arith.index_cast %swap3A_251 : i32 to index
      %swap3A_253 = arith.index_cast %scan3A_66 : i32 to index
      %swap3A_254 = arith.constant 592 : index
      %swap3A_255 = tpu.vector_load %arg5[%swap3A_252, %swap3A_253, %swap3A_254] {strides = array<i32>} : memref<1x26x1000xf32, #tpu.memory_space<vmem>>, vector<16xf32>,
      tpu.vector_store %arg5[%swap3A_252, %swap3A_253, %swap3A_254], %broadcast_in_dim3A_7 {strides = array<i32>} : memref<1x26x1000xf32, #tpu.memory_space<vmem>>, vector<16xf32>,
      %swap3A_256 = arith.constant 0 : i32
      %swap3A_257 = arith.index_cast %swap3A_256 : i32 to index
      %swap3A_258 = arith.index_cast %scan3A_66 : i32 to index
      %swap3A_259 = arith.constant 608 : index
      %swap3A_260 = tpu.vector_load %arg5[%swap3A_257, %swap3A_258, %swap3A_259] {strides = array<i32>} : memref<1x26x1000xf32, #tpu.memory_space<vmem>>, vector<16xf32>,
      tpu.vector_store %arg5[%swap3A_257, %swap3A_258, %swap3A_259], %broadcast_in_dim3A_7 {strides = array<i32>} : memref<1x26x1000xf32, #tpu.memory_space<vmem>>, vector<16xf32>,
      %swap3A_261 = arith.constant 0 : i32
      %swap3A_262 = arith.index_cast %swap3A_261 : i32 to index
      %swap3A_263 = arith.index_cast %scan3A_66 : i32 to index
      %swap3A_264 = arith.constant 624 : index
      %swap3A_265 = tpu.vector_load %arg5[%swap3A_262, %swap3A_263, %swap3A_264] {strides = array<i32>} : memref<1x26x1000xf32, #tpu.memory_space<vmem>>, vector<16xf32>,
      tpu.vector_store %arg5[%swap3A_262, %swap3A_263, %swap3A_264], %broadcast_in_dim3A_7 {strides = array<i32>} : memref<1x26x1000xf32, #tpu.memory_space<vmem>>, vector<16xf32>,
      %swap3A_266 = arith.constant 0 : i32
      %swap3A_267 = arith.index_cast %swap3A_266 : i32 to index
      %swap3A_268 = arith.index_cast %scan3A_66 : i32 to index
      %swap3A_269 = arith.constant 640 : index
      %swap3A_270 = tpu.vector_load %arg5[%swap3A_267, %swap3A_268, %swap3A_269] {strides = array<i32>} : memref<1x26x1000xf32, #tpu.memory_space<vmem>>, vector<16xf32>,
      tpu.vector_store %arg5[%swap3A_267, %swap3A_268, %swap3A_269], %broadcast_in_dim3A_7 {strides = array<i32>} : memref<1x26x1000xf32, #tpu.memory_space<vmem>>, vector<16xf32>,
      %swap3A_271 = arith.constant 0 : i32
      %swap3A_272 = arith.index_cast %swap3A_271 : i32 to index
      %swap3A_273 = arith.index_cast %scan3A_66 : i32 to index
      %swap3A_274 = arith.constant 656 : index
      %swap3A_275 = tpu.vector_load %arg5[%swap3A_272, %swap3A_273, %swap3A_274] {strides = array<i32>} : memref<1x26x1000xf32, #tpu.memory_space<vmem>>, vector<16xf32>,
      tpu.vector_store %arg5[%swap3A_272, %swap3A_273, %swap3A_274], %broadcast_in_dim3A_7 {strides = array<i32>} : memref<1x26x1000xf32, #tpu.memory_space<vmem>>, vector<16xf32>,
      %swap3A_276 = arith.constant 0 : i32
      %swap3A_277 = arith.index_cast %swap3A_276 : i32 to index
      %swap3A_278 = arith.index_cast %scan3A_66 : i32 to index
      %swap3A_279 = arith.constant 672 : index
      %swap3A_280 = tpu.vector_load %arg5[%swap3A_277, %swap3A_278, %swap3A_279] {strides = array<i32>} : memref<1x26x1000xf32, #tpu.memory_space<vmem>>, vector<16xf32>,
      tpu.vector_store %arg5[%swap3A_277, %swap3A_278, %swap3A_279], %broadcast_in_dim3A_7 {strides = array<i32>} : memref<1x26x1000xf32, #tpu.memory_space<vmem>>, vector<16xf32>,
      %swap3A_281 = arith.constant 0 : i32
      %swap3A_282 = arith.index_cast %swap3A_281 : i32 to index
      %swap3A_283 = arith.index_cast %scan3A_66 : i32 to index
      %swap3A_284 = arith.constant 688 : index
      %swap3A_285 = tpu.vector_load %arg5[%swap3A_282, %swap3A_283, %swap3A_284] {strides = array<i32>} : memref<1x26x1000xf32, #tpu.memory_space<vmem>>, vector<16xf32>,
      tpu.vector_store %arg5[%swap3A_282, %swap3A_283, %swap3A_284], %broadcast_in_dim3A_7 {strides = array<i32>} : memref<1x26x1000xf32, #tpu.memory_space<vmem>>, vector<16xf32>,
      %swap3A_286 = arith.constant 0 : i32
      %swap3A_287 = arith.index_cast %swap3A_286 : i32 to index
      %swap3A_288 = arith.index_cast %scan3A_66 : i32 to index
      %swap3A_289 = arith.constant 704 : index
      %swap3A_290 = tpu.vector_load %arg5[%swap3A_287, %swap3A_288, %swap3A_289] {strides = array<i32>} : memref<1x26x1000xf32, #tpu.memory_space<vmem>>, vector<16xf32>,
      tpu.vector_store %arg5[%swap3A_287, %swap3A_288, %swap3A_289], %broadcast_in_dim3A_7 {strides = array<i32>} : memref<1x26x1000xf32, #tpu.memory_space<vmem>>, vector<16xf32>,
      %swap3A_291 = arith.constant 0 : i32
      %swap3A_292 = arith.index_cast %swap3A_291 : i32 to index
      %swap3A_293 = arith.index_cast %scan3A_66 : i32 to index
      %swap3A_294 = arith.constant 720 : index
      %swap3A_295 = tpu.vector_load %arg5[%swap3A_292, %swap3A_293, %swap3A_294] {strides = array<i32>} : memref<1x26x1000xf32, #tpu.memory_space<vmem>>, vector<16xf32>,
      tpu.vector_store %arg5[%swap3A_292, %swap3A_293, %swap3A_294], %broadcast_in_dim3A_7 {strides = array<i32>} : memref<1x26x1000xf32, #tpu.memory_space<vmem>>, vector<16xf32>,
      %swap3A_296 = arith.constant 0 : i32
      %swap3A_297 = arith.index_cast %swap3A_296 : i32 to index
      %swap3A_298 = arith.index_cast %scan3A_66 : i32 to index
      %swap3A_299 = arith.constant 736 : index
      %swap3A_300 = tpu.vector_load %arg5[%swap3A_297, %swap3A_298, %swap3A_299] {strides = array<i32>} : memref<1x26x1000xf32, #tpu.memory_space<vmem>>, vector<16xf32>,
      tpu.vector_store %arg5[%swap3A_297, %swap3A_298, %swap3A_299], %broadcast_in_dim3A_7 {strides = array<i32>} : memref<1x26x1000xf32, #tpu.memory_space<vmem>>, vector<16xf32>,
      %swap3A_301 = arith.constant 0 : i32
      %swap3A_302 = arith.index_cast %swap3A_301 : i32 to index
      %swap3A_303 = arith.index_cast %scan3A_66 : i32 to index
      %swap3A_304 = arith.constant 752 : index
      %swap3A_305 = tpu.vector_load %arg5[%swap3A_302, %swap3A_303, %swap3A_304] {strides = array<i32>} : memref<1x26x1000xf32, #tpu.memory_space<vmem>>, vector<16xf32>,
      tpu.vector_store %arg5[%swap3A_302, %swap3A_303, %swap3A_304], %broadcast_in_dim3A_7 {strides = array<i32>} : memref<1x26x1000xf32, #tpu.memory_space<vmem>>, vector<16xf32>,
      %swap3A_306 = arith.constant 0 : i32
      %swap3A_307 = arith.index_cast %swap3A_306 : i32 to index
      %swap3A_308 = arith.index_cast %scan3A_66 : i32 to index
      %swap3A_309 = arith.constant 768 : index
      %swap3A_310 = tpu.vector_load %arg5[%swap3A_307, %swap3A_308, %swap3A_309] {strides = array<i32>} : memref<1x26x1000xf32, #tpu.memory_space<vmem>>, vector<16xf32>,
      tpu.vector_store %arg5[%swap3A_307, %swap3A_308, %swap3A_309], %broadcast_in_dim3A_7 {strides = array<i32>} : memref<1x26x1000xf32, #tpu.memory_space<vmem>>, vector<16xf32>,
      %swap3A_311 = arith.constant 0 : i32
      %swap3A_312 = arith.index_cast %swap3A_311 : i32 to index
      %swap3A_313 = arith.index_cast %scan3A_66 : i32 to index
      %swap3A_314 = arith.constant 784 : index
      %swap3A_315 = tpu.vector_load %arg5[%swap3A_312, %swap3A_313, %swap3A_314] {strides = array<i32>} : memref<1x26x1000xf32, #tpu.memory_space<vmem>>, vector<16xf32>,
      tpu.vector_store %arg5[%swap3A_312, %swap3A_313, %swap3A_314], %broadcast_in_dim3A_7 {strides = array<i32>} : memref<1x26x1000xf32, #tpu.memory_space<vmem>>, vector<16xf32>,
      %swap3A_316 = arith.constant 0 : i32
      %swap3A_317 = arith.index_cast %swap3A_316 : i32 to index
      %swap3A_318 = arith.index_cast %scan3A_66 : i32 to index
      %swap3A_319 = arith.constant 800 : index
      %swap3A_320 = tpu.vector_load %arg5[%swap3A_317, %swap3A_318, %swap3A_319] {strides = array<i32>} : memref<1x26x1000xf32, #tpu.memory_space<vmem>>, vector<16xf32>,
      tpu.vector_store %arg5[%swap3A_317, %swap3A_318, %swap3A_319], %broadcast_in_dim3A_7 {strides = array<i32>} : memref<1x26x1000xf32, #tpu.memory_space<vmem>>, vector<16xf32>,
      %swap3A_321 = arith.constant 0 : i32
      %swap3A_322 = arith.index_cast %swap3A_321 : i32 to index
      %swap3A_323 = arith.index_cast %scan3A_66 : i32 to index
      %swap3A_324 = arith.constant 816 : index
      %swap3A_325 = tpu.vector_load %arg5[%swap3A_322, %swap3A_323, %swap3A_324] {strides = array<i32>} : memref<1x26x1000xf32, #tpu.memory_space<vmem>>, vector<16xf32>,
      tpu.vector_store %arg5[%swap3A_322, %swap3A_323, %swap3A_324], %broadcast_in_dim3A_7 {strides = array<i32>} : memref<1x26x1000xf32, #tpu.memory_space<vmem>>, vector<16xf32>,
      %swap3A_326 = arith.constant 0 : i32
      %swap3A_327 = arith.index_cast %swap3A_326 : i32 to index
      %swap3A_328 = arith.index_cast %scan3A_66 : i32 to index
      %swap3A_329 = arith.constant 832 : index
      %swap3A_330 = tpu.vector_load %arg5[%swap3A_327, %swap3A_328, %swap3A_329] {strides = array<i32>} : memref<1x26x1000xf32, #tpu.memory_space<vmem>>, vector<16xf32>,
      tpu.vector_store %arg5[%swap3A_327, %swap3A_328, %swap3A_329], %broadcast_in_dim3A_7 {strides = array<i32>} : memref<1x26x1000xf32, #tpu.memory_space<vmem>>, vector<16xf32>,
      %swap3A_331 = arith.constant 0 : i32
      %swap3A_332 = arith.index_cast %swap3A_331 : i32 to index
      %swap3A_333 = arith.index_cast %scan3A_66 : i32 to index
      %swap3A_334 = arith.constant 848 : index
      %swap3A_335 = tpu.vector_load %arg5[%swap3A_332, %swap3A_333, %swap3A_334] {strides = array<i32>} : memref<1x26x1000xf32, #tpu.memory_space<vmem>>, vector<16xf32>,
      tpu.vector_store %arg5[%swap3A_332, %swap3A_333, %swap3A_334], %broadcast_in_dim3A_7 {strides = array<i32>} : memref<1x26x1000xf32, #tpu.memory_space<vmem>>, vector<16xf32>,
      %swap3A_336 = arith.constant 0 : i32
      %swap3A_337 = arith.index_cast %swap3A_336 : i32 to index
      %swap3A_338 = arith.index_cast %scan3A_66 : i32 to index
      %swap3A_339 = arith.constant 864 : index
      %swap3A_340 = tpu.vector_load %arg5[%swap3A_337, %swap3A_338, %swap3A_339] {strides = array<i32>} : memref<1x26x1000xf32, #tpu.memory_space<vmem>>, vector<16xf32>,
      tpu.vector_store %arg5[%swap3A_337, %swap3A_338, %swap3A_339], %broadcast_in_dim3A_7 {strides = array<i32>} : memref<1x26x1000xf32, #tpu.memory_space<vmem>>, vector<16xf32>,
      %swap3A_341 = arith.constant 0 : i32
      %swap3A_342 = arith.index_cast %swap3A_341 : i32 to index
      %swap3A_343 = arith.index_cast %scan3A_66 : i32 to index
      %swap3A_344 = arith.constant 880 : index
      %swap3A_345 = tpu.vector_load %arg5[%swap3A_342, %swap3A_343, %swap3A_344] {strides = array<i32>} : memref<1x26x1000xf32, #tpu.memory_space<vmem>>, vector<16xf32>,
      tpu.vector_store %arg5[%swap3A_342, %swap3A_343, %swap3A_344], %broadcast_in_dim3A_7 {strides = array<i32>} : memref<1x26x1000xf32, #tpu.memory_space<vmem>>, vector<16xf32>,
      %swap3A_346 = arith.constant 0 : i32
      %swap3A_347 = arith.index_cast %swap3A_346 : i32 to index
      %swap3A_348 = arith.index_cast %scan3A_66 : i32 to index
      %swap3A_349 = arith.constant 896 : index
      %swap3A_350 = tpu.vector_load %arg5[%swap3A_347, %swap3A_348, %swap3A_349] {strides = array<i32>} : memref<1x26x1000xf32, #tpu.memory_space<vmem>>, vector<16xf32>,
      tpu.vector_store %arg5[%swap3A_347, %swap3A_348, %swap3A_349], %broadcast_in_dim3A_7 {strides = array<i32>} : memref<1x26x1000xf32, #tpu.memory_space<vmem>>, vector<16xf32>,
      %swap3A_351 = arith.constant 0 : i32
      %swap3A_352 = arith.index_cast %swap3A_351 : i32 to index
      %swap3A_353 = arith.index_cast %scan3A_66 : i32 to index
      %swap3A_354 = arith.constant 912 : index
      %swap3A_355 = tpu.vector_load %arg5[%swap3A_352, %swap3A_353, %swap3A_354] {strides = array<i32>} : memref<1x26x1000xf32, #tpu.memory_space<vmem>>, vector<16xf32>,
      tpu.vector_store %arg5[%swap3A_352, %swap3A_353, %swap3A_354], %broadcast_in_dim3A_7 {strides = array<i32>} : memref<1x26x1000xf32, #tpu.memory_space<vmem>>, vector<16xf32>,
      %swap3A_356 = arith.constant 0 : i32
      %swap3A_357 = arith.index_cast %swap3A_356 : i32 to index
      %swap3A_358 = arith.index_cast %scan3A_66 : i32 to index
      %swap3A_359 = arith.constant 928 : index
      %swap3A_360 = tpu.vector_load %arg5[%swap3A_357, %swap3A_358, %swap3A_359] {strides = array<i32>} : memref<1x26x1000xf32, #tpu.memory_space<vmem>>, vector<16xf32>,
      tpu.vector_store %arg5[%swap3A_357, %swap3A_358, %swap3A_359], %broadcast_in_dim3A_7 {strides = array<i32>} : memref<1x26x1000xf32, #tpu.memory_space<vmem>>, vector<16xf32>,
      %swap3A_361 = arith.constant 0 : i32
      %swap3A_362 = arith.index_cast %swap3A_361 : i32 to index
      %swap3A_363 = arith.index_cast %scan3A_66 : i32 to index
      %swap3A_364 = arith.constant 944 : index
      %swap3A_365 = tpu.vector_load %arg5[%swap3A_362, %swap3A_363, %swap3A_364] {strides = array<i32>} : memref<1x26x1000xf32, #tpu.memory_space<vmem>>, vector<16xf32>,
      tpu.vector_store %arg5[%swap3A_362, %swap3A_363, %swap3A_364], %broadcast_in_dim3A_7 {strides = array<i32>} : memref<1x26x1000xf32, #tpu.memory_space<vmem>>, vector<16xf32>,
      %swap3A_366 = arith.constant 0 : i32
      %swap3A_367 = arith.index_cast %swap3A_366 : i32 to index
      %swap3A_368 = arith.index_cast %scan3A_66 : i32 to index
      %swap3A_369 = arith.constant 960 : index
      %swap3A_370 = tpu.vector_load %arg5[%swap3A_367, %swap3A_368, %swap3A_369] {strides = array<i32>} : memref<1x26x1000xf32, #tpu.memory_space<vmem>>, vector<16xf32>,
      tpu.vector_store %arg5[%swap3A_367, %swap3A_368, %swap3A_369], %broadcast_in_dim3A_7 {strides = array<i32>} : memref<1x26x1000xf32, #tpu.memory_space<vmem>>, vector<16xf32>,
      %swap3A_371 = arith.constant 0 : i32
      %swap3A_372 = arith.index_cast %swap3A_371 : i32 to index
      %swap3A_373 = arith.index_cast %scan3A_66 : i32 to index
      %swap3A_374 = arith.constant 976 : index
      %swap3A_375 = tpu.vector_load %arg5[%swap3A_372, %swap3A_373, %swap3A_374] {strides = array<i32>} : memref<1x26x1000xf32, #tpu.memory_space<vmem>>, vector<16xf32>,
      tpu.vector_store %arg5[%swap3A_372, %swap3A_373, %swap3A_374], %broadcast_in_dim3A_7 {strides = array<i32>} : memref<1x26x1000xf32, #tpu.memory_space<vmem>>, vector<16xf32>,
      %swap3A_376 = arith.constant 0 : i32
      %swap3A_377 = arith.index_cast %swap3A_376 : i32 to index
      %swap3A_378 = arith.index_cast %scan3A_66 : i32 to index
      %swap3A_379 = arith.constant 984 : index
      %swap3A_380 = tpu.vector_load %arg5[%swap3A_377, %swap3A_378, %swap3A_379] {strides = array<i32>} : memref<1x26x1000xf32, #tpu.memory_space<vmem>>, vector<16xf32>,
      tpu.vector_store %arg5[%swap3A_377, %swap3A_378, %swap3A_379], %broadcast_in_dim3A_7 {strides = array<i32>} : memref<1x26x1000xf32, #tpu.memory_space<vmem>>, vector<16xf32>,
      %swap3A_381 = arith.constant 0 : i32
      %swap3A_382 = arith.index_cast %swap3A_381 : i32 to index
      %swap3A_383 = arith.index_cast %scan3A_66 : i32 to index
      %swap3A_384 = arith.constant 0 : index
      %swap3A_385 = tpu.vector_load %arg6[%swap3A_382, %swap3A_383, %swap3A_384] {strides = array<i32>} : memref<1x26x1000xf32, #tpu.memory_space<vmem>>, vector<16xf32>,
      tpu.vector_store %arg6[%swap3A_382, %swap3A_383, %swap3A_384], %broadcast_in_dim3A_7 {strides = array<i32>} : memref<1x26x1000xf32, #tpu.memory_space<vmem>>, vector<16xf32>,
      %swap3A_386 = arith.constant 0 : i32
      %swap3A_387 = arith.index_cast %swap3A_386 : i32 to index
      %swap3A_388 = arith.index_cast %scan3A_66 : i32 to index
      %swap3A_389 = arith.constant 16 : index
      %swap3A_390 = tpu.vector_load %arg6[%swap3A_387, %swap3A_388, %swap3A_389] {strides = array<i32>} : memref<1x26x1000xf32, #tpu.memory_space<vmem>>, vector<16xf32>,
      tpu.vector_store %arg6[%swap3A_387, %swap3A_388, %swap3A_389], %broadcast_in_dim3A_7 {strides = array<i32>} : memref<1x26x1000xf32, #tpu.memory_space<vmem>>, vector<16xf32>,
      %swap3A_391 = arith.constant 0 : i32
      %swap3A_392 = arith.index_cast %swap3A_391 : i32 to index
      %swap3A_393 = arith.index_cast %scan3A_66 : i32 to index
      %swap3A_394 = arith.constant 32 : index
      %swap3A_395 = tpu.vector_load %arg6[%swap3A_392, %swap3A_393, %swap3A_394] {strides = array<i32>} : memref<1x26x1000xf32, #tpu.memory_space<vmem>>, vector<16xf32>,
      tpu.vector_store %arg6[%swap3A_392, %swap3A_393, %swap3A_394], %broadcast_in_dim3A_7 {strides = array<i32>} : memref<1x26x1000xf32, #tpu.memory_space<vmem>>, vector<16xf32>,
      %swap3A_396 = arith.constant 0 : i32
      %swap3A_397 = arith.index_cast %swap3A_396 : i32 to index
      %swap3A_398 = arith.index_cast %scan3A_66 : i32 to index
      %swap3A_399 = arith.constant 48 : index
      %swap3A_400 = tpu.vector_load %arg6[%swap3A_397, %swap3A_398, %swap3A_399] {strides = array<i32>} : memref<1x26x1000xf32, #tpu.memory_space<vmem>>, vector<16xf32>,
      tpu.vector_store %arg6[%swap3A_397, %swap3A_398, %swap3A_399], %broadcast_in_dim3A_7 {strides = array<i32>} : memref<1x26x1000xf32, #tpu.memory_space<vmem>>, vector<16xf32>,
      %swap3A_401 = arith.constant 0 : i32
      %swap3A_402 = arith.index_cast %swap3A_401 : i32 to index
      %swap3A_403 = arith.index_cast %scan3A_66 : i32 to index
      %swap3A_404 = arith.constant 64 : index
      %swap3A_405 = tpu.vector_load %arg6[%swap3A_402, %swap3A_403, %swap3A_404] {strides = array<i32>} : memref<1x26x1000xf32, #tpu.memory_space<vmem>>, vector<16xf32>,
      tpu.vector_store %arg6[%swap3A_402, %swap3A_403, %swap3A_404], %broadcast_in_dim3A_7 {strides = array<i32>} : memref<1x26x1000xf32, #tpu.memory_space<vmem>>, vector<16xf32>,
      %swap3A_406 = arith.constant 0 : i32
      %swap3A_407 = arith.index_cast %swap3A_406 : i32 to index
      %swap3A_408 = arith.index_cast %scan3A_66 : i32 to index
      %swap3A_409 = arith.constant 80 : index
      %swap3A_410 = tpu.vector_load %arg6[%swap3A_407, %swap3A_408, %swap3A_409] {strides = array<i32>} : memref<1x26x1000xf32, #tpu.memory_space<vmem>>, vector<16xf32>,
      tpu.vector_store %arg6[%swap3A_407, %swap3A_408, %swap3A_409], %broadcast_in_dim3A_7 {strides = array<i32>} : memref<1x26x1000xf32, #tpu.memory_space<vmem>>, vector<16xf32>,
      %swap3A_411 = arith.constant 0 : i32
      %swap3A_412 = arith.index_cast %swap3A_411 : i32 to index
      %swap3A_413 = arith.index_cast %scan3A_66 : i32 to index
      %swap3A_414 = arith.constant 96 : index
      %swap3A_415 = tpu.vector_load %arg6[%swap3A_412, %swap3A_413, %swap3A_414] {strides = array<i32>} : memref<1x26x1000xf32, #tpu.memory_space<vmem>>, vector<16xf32>,
      tpu.vector_store %arg6[%swap3A_412, %swap3A_413, %swap3A_414], %broadcast_in_dim3A_7 {strides = array<i32>} : memref<1x26x1000xf32, #tpu.memory_space<vmem>>, vector<16xf32>,
      %swap3A_416 = arith.constant 0 : i32
      %swap3A_417 = arith.index_cast %swap3A_416 : i32 to index
      %swap3A_418 = arith.index_cast %scan3A_66 : i32 to index
      %swap3A_419 = arith.constant 112 : index
      %swap3A_420 = tpu.vector_load %arg6[%swap3A_417, %swap3A_418, %swap3A_419] {strides = array<i32>} : memref<1x26x1000xf32, #tpu.memory_space<vmem>>, vector<16xf32>,
      tpu.vector_store %arg6[%swap3A_417, %swap3A_418, %swap3A_419], %broadcast_in_dim3A_7 {strides = array<i32>} : memref<1x26x1000xf32, #tpu.memory_space<vmem>>, vector<16xf32>,
      %swap3A_421 = arith.constant 0 : i32
      %swap3A_422 = arith.index_cast %swap3A_421 : i32 to index
      %swap3A_423 = arith.index_cast %scan3A_66 : i32 to index
      %swap3A_424 = arith.constant 128 : index
      %swap3A_425 = tpu.vector_load %arg6[%swap3A_422, %swap3A_423, %swap3A_424] {strides = array<i32>} : memref<1x26x1000xf32, #tpu.memory_space<vmem>>, vector<16xf32>,
      tpu.vector_store %arg6[%swap3A_422, %swap3A_423, %swap3A_424], %broadcast_in_dim3A_7 {strides = array<i32>} : memref<1x26x1000xf32, #tpu.memory_space<vmem>>, vector<16xf32>,
      %swap3A_426 = arith.constant 0 : i32
      %swap3A_427 = arith.index_cast %swap3A_426 : i32 to index
      %swap3A_428 = arith.index_cast %scan3A_66 : i32 to index
      %swap3A_429 = arith.constant 144 : index
      %swap3A_430 = tpu.vector_load %arg6[%swap3A_427, %swap3A_428, %swap3A_429] {strides = array<i32>} : memref<1x26x1000xf32, #tpu.memory_space<vmem>>, vector<16xf32>,
      tpu.vector_store %arg6[%swap3A_427, %swap3A_428, %swap3A_429], %broadcast_in_dim3A_7 {strides = array<i32>} : memref<1x26x1000xf32, #tpu.memory_space<vmem>>, vector<16xf32>,
      %swap3A_431 = arith.constant 0 : i32
      %swap3A_432 = arith.index_cast %swap3A_431 : i32 to index
      %swap3A_433 = arith.index_cast %scan3A_66 : i32 to index
      %swap3A_434 = arith.constant 160 : index
      %swap3A_435 = tpu.vector_load %arg6[%swap3A_432, %swap3A_433, %swap3A_434] {strides = array<i32>} : memref<1x26x1000xf32, #tpu.memory_space<vmem>>, vector<16xf32>,
      tpu.vector_store %arg6[%swap3A_432, %swap3A_433, %swap3A_434], %broadcast_in_dim3A_7 {strides = array<i32>} : memref<1x26x1000xf32, #tpu.memory_space<vmem>>, vector<16xf32>,
      %swap3A_436 = arith.constant 0 : i32
      %swap3A_437 = arith.index_cast %swap3A_436 : i32 to index
      %swap3A_438 = arith.index_cast %scan3A_66 : i32 to index
      %swap3A_439 = arith.constant 176 : index
      %swap3A_440 = tpu.vector_load %arg6[%swap3A_437, %swap3A_438, %swap3A_439] {strides = array<i32>} : memref<1x26x1000xf32, #tpu.memory_space<vmem>>, vector<16xf32>,
      tpu.vector_store %arg6[%swap3A_437, %swap3A_438, %swap3A_439], %broadcast_in_dim3A_7 {strides = array<i32>} : memref<1x26x1000xf32, #tpu.memory_space<vmem>>, vector<16xf32>,
      %swap3A_441 = arith.constant 0 : i32
      %swap3A_442 = arith.index_cast %swap3A_441 : i32 to index
      %swap3A_443 = arith.index_cast %scan3A_66 : i32 to index
      %swap3A_444 = arith.constant 192 : index
      %swap3A_445 = tpu.vector_load %arg6[%swap3A_442, %swap3A_443, %swap3A_444] {strides = array<i32>} : memref<1x26x1000xf32, #tpu.memory_space<vmem>>, vector<16xf32>,
      tpu.vector_store %arg6[%swap3A_442, %swap3A_443, %swap3A_444], %broadcast_in_dim3A_7 {strides = array<i32>} : memref<1x26x1000xf32, #tpu.memory_space<vmem>>, vector<16xf32>,
      %swap3A_446 = arith.constant 0 : i32
      %swap3A_447 = arith.index_cast %swap3A_446 : i32 to index
      %swap3A_448 = arith.index_cast %scan3A_66 : i32 to index
      %swap3A_449 = arith.constant 208 : index
      %swap3A_450 = tpu.vector_load %arg6[%swap3A_447, %swap3A_448, %swap3A_449] {strides = array<i32>} : memref<1x26x1000xf32, #tpu.memory_space<vmem>>, vector<16xf32>,
      tpu.vector_store %arg6[%swap3A_447, %swap3A_448, %swap3A_449], %broadcast_in_dim3A_7 {strides = array<i32>} : memref<1x26x1000xf32, #tpu.memory_space<vmem>>, vector<16xf32>,
      %swap3A_451 = arith.constant 0 : i32
      %swap3A_452 = arith.index_cast %swap3A_451 : i32 to index
      %swap3A_453 = arith.index_cast %scan3A_66 : i32 to index
      %swap3A_454 = arith.constant 224 : index
      %swap3A_455 = tpu.vector_load %arg6[%swap3A_452, %swap3A_453, %swap3A_454] {strides = array<i32>} : memref<1x26x1000xf32, #tpu.memory_space<vmem>>, vector<16xf32>,
      tpu.vector_store %arg6[%swap3A_452, %swap3A_453, %swap3A_454], %broadcast_in_dim3A_7 {strides = array<i32>} : memref<1x26x1000xf32, #tpu.memory_space<vmem>>, vector<16xf32>,
      %swap3A_456 = arith.constant 0 : i32
      %swap3A_457 = arith.index_cast %swap3A_456 : i32 to index
      %swap3A_458 = arith.index_cast %scan3A_66 : i32 to index
      %swap3A_459 = arith.constant 240 : index
      %swap3A_460 = tpu.vector_load %arg6[%swap3A_457, %swap3A_458, %swap3A_459] {strides = array<i32>} : memref<1x26x1000xf32, #tpu.memory_space<vmem>>, vector<16xf32>,
      tpu.vector_store %arg6[%swap3A_457, %swap3A_458, %swap3A_459], %broadcast_in_dim3A_7 {strides = array<i32>} : memref<1x26x1000xf32, #tpu.memory_space<vmem>>, vector<16xf32>,
      %swap3A_461 = arith.constant 0 : i32
      %swap3A_462 = arith.index_cast %swap3A_461 : i32 to index
      %swap3A_463 = arith.index_cast %scan3A_66 : i32 to index
      %swap3A_464 = arith.constant 256 : index
      %swap3A_465 = tpu.vector_load %arg6[%swap3A_462, %swap3A_463, %swap3A_464] {strides = array<i32>} : memref<1x26x1000xf32, #tpu.memory_space<vmem>>, vector<16xf32>,
      tpu.vector_store %arg6[%swap3A_462, %swap3A_463, %swap3A_464], %broadcast_in_dim3A_7 {strides = array<i32>} : memref<1x26x1000xf32, #tpu.memory_space<vmem>>, vector<16xf32>,
      %swap3A_466 = arith.constant 0 : i32
      %swap3A_467 = arith.index_cast %swap3A_466 : i32 to index
      %swap3A_468 = arith.index_cast %scan3A_66 : i32 to index
      %swap3A_469 = arith.constant 272 : index
      %swap3A_470 = tpu.vector_load %arg6[%swap3A_467, %swap3A_468, %swap3A_469] {strides = array<i32>} : memref<1x26x1000xf32, #tpu.memory_space<vmem>>, vector<16xf32>,
      tpu.vector_store %arg6[%swap3A_467, %swap3A_468, %swap3A_469], %broadcast_in_dim3A_7 {strides = array<i32>} : memref<1x26x1000xf32, #tpu.memory_space<vmem>>, vector<16xf32>,
      %swap3A_471 = arith.constant 0 : i32
      %swap3A_472 = arith.index_cast %swap3A_471 : i32 to index
      %swap3A_473 = arith.index_cast %scan3A_66 : i32 to index
      %swap3A_474 = arith.constant 288 : index
      %swap3A_475 = tpu.vector_load %arg6[%swap3A_472, %swap3A_473, %swap3A_474] {strides = array<i32>} : memref<1x26x1000xf32, #tpu.memory_space<vmem>>, vector<16xf32>,
      tpu.vector_store %arg6[%swap3A_472, %swap3A_473, %swap3A_474], %broadcast_in_dim3A_7 {strides = array<i32>} : memref<1x26x1000xf32, #tpu.memory_space<vmem>>, vector<16xf32>,
      %swap3A_476 = arith.constant 0 : i32
      %swap3A_477 = arith.index_cast %swap3A_476 : i32 to index
      %swap3A_478 = arith.index_cast %scan3A_66 : i32 to index
      %swap3A_479 = arith.constant 304 : index
      %swap3A_480 = tpu.vector_load %arg6[%swap3A_477, %swap3A_478, %swap3A_479] {strides = array<i32>} : memref<1x26x1000xf32, #tpu.memory_space<vmem>>, vector<16xf32>,
      tpu.vector_store %arg6[%swap3A_477, %swap3A_478, %swap3A_479], %broadcast_in_dim3A_7 {strides = array<i32>} : memref<1x26x1000xf32, #tpu.memory_space<vmem>>, vector<16xf32>,
      %swap3A_481 = arith.constant 0 : i32
      %swap3A_482 = arith.index_cast %swap3A_481 : i32 to index
      %swap3A_483 = arith.index_cast %scan3A_66 : i32 to index
      %swap3A_484 = arith.constant 320 : index
      %swap3A_485 = tpu.vector_load %arg6[%swap3A_482, %swap3A_483, %swap3A_484] {strides = array<i32>} : memref<1x26x1000xf32, #tpu.memory_space<vmem>>, vector<16xf32>,
      tpu.vector_store %arg6[%swap3A_482, %swap3A_483, %swap3A_484], %broadcast_in_dim3A_7 {strides = array<i32>} : memref<1x26x1000xf32, #tpu.memory_space<vmem>>, vector<16xf32>,
      %swap3A_486 = arith.constant 0 : i32
      %swap3A_487 = arith.index_cast %swap3A_486 : i32 to index
      %swap3A_488 = arith.index_cast %scan3A_66 : i32 to index
      %swap3A_489 = arith.constant 336 : index
      %swap3A_490 = tpu.vector_load %arg6[%swap3A_487, %swap3A_488, %swap3A_489] {strides = array<i32>} : memref<1x26x1000xf32, #tpu.memory_space<vmem>>, vector<16xf32>,
      tpu.vector_store %arg6[%swap3A_487, %swap3A_488, %swap3A_489], %broadcast_in_dim3A_7 {strides = array<i32>} : memref<1x26x1000xf32, #tpu.memory_space<vmem>>, vector<16xf32>,
      %swap3A_491 = arith.constant 0 : i32
      %swap3A_492 = arith.index_cast %swap3A_491 : i32 to index
      %swap3A_493 = arith.index_cast %scan3A_66 : i32 to index
      %swap3A_494 = arith.constant 352 : index
      %swap3A_495 = tpu.vector_load %arg6[%swap3A_492, %swap3A_493, %swap3A_494] {strides = array<i32>} : memref<1x26x1000xf32, #tpu.memory_space<vmem>>, vector<16xf32>,
      tpu.vector_store %arg6[%swap3A_492, %swap3A_493, %swap3A_494], %broadcast_in_dim3A_7 {strides = array<i32>} : memref<1x26x1000xf32, #tpu.memory_space<vmem>>, vector<16xf32>,
      %swap3A_496 = arith.constant 0 : i32
      %swap3A_497 = arith.index_cast %swap3A_496 : i32 to index
      %swap3A_498 = arith.index_cast %scan3A_66 : i32 to index
      %swap3A_499 = arith.constant 368 : index
      %swap3A_500 = tpu.vector_load %arg6[%swap3A_497, %swap3A_498, %swap3A_499] {strides = array<i32>} : memref<1x26x1000xf32, #tpu.memory_space<vmem>>, vector<16xf32>,
      tpu.vector_store %arg6[%swap3A_497, %swap3A_498, %swap3A_499], %broadcast_in_dim3A_7 {strides = array<i32>} : memref<1x26x1000xf32, #tpu.memory_space<vmem>>, vector<16xf32>,
      %swap3A_501 = arith.constant 0 : i32
      %swap3A_502 = arith.index_cast %swap3A_501 : i32 to index
      %swap3A_503 = arith.index_cast %scan3A_66 : i32 to index
      %swap3A_504 = arith.constant 384 : index
      %swap3A_505 = tpu.vector_load %arg6[%swap3A_502, %swap3A_503, %swap3A_504] {strides = array<i32>} : memref<1x26x1000xf32, #tpu.memory_space<vmem>>, vector<16xf32>,
      tpu.vector_store %arg6[%swap3A_502, %swap3A_503, %swap3A_504], %broadcast_in_dim3A_7 {strides = array<i32>} : memref<1x26x1000xf32, #tpu.memory_space<vmem>>, vector<16xf32>,
      %swap3A_506 = arith.constant 0 : i32
      %swap3A_507 = arith.index_cast %swap3A_506 : i32 to index
      %swap3A_508 = arith.index_cast %scan3A_66 : i32 to index
      %swap3A_509 = arith.constant 400 : index
      %swap3A_510 = tpu.vector_load %arg6[%swap3A_507, %swap3A_508, %swap3A_509] {strides = array<i32>} : memref<1x26x1000xf32, #tpu.memory_space<vmem>>, vector<16xf32>,
      tpu.vector_store %arg6[%swap3A_507, %swap3A_508, %swap3A_509], %broadcast_in_dim3A_7 {strides = array<i32>} : memref<1x26x1000xf32, #tpu.memory_space<vmem>>, vector<16xf32>,
      %swap3A_511 = arith.constant 0 : i32
      %swap3A_512 = arith.index_cast %swap3A_511 : i32 to index
      %swap3A_513 = arith.index_cast %scan3A_66 : i32 to index
      %swap3A_514 = arith.constant 416 : index
      %swap3A_515 = tpu.vector_load %arg6[%swap3A_512, %swap3A_513, %swap3A_514] {strides = array<i32>} : memref<1x26x1000xf32, #tpu.memory_space<vmem>>, vector<16xf32>,
      tpu.vector_store %arg6[%swap3A_512, %swap3A_513, %swap3A_514], %broadcast_in_dim3A_7 {strides = array<i32>} : memref<1x26x1000xf32, #tpu.memory_space<vmem>>, vector<16xf32>,
      %swap3A_516 = arith.constant 0 : i32
      %swap3A_517 = arith.index_cast %swap3A_516 : i32 to index
      %swap3A_518 = arith.index_cast %scan3A_66 : i32 to index
      %swap3A_519 = arith.constant 432 : index
      %swap3A_520 = tpu.vector_load %arg6[%swap3A_517, %swap3A_518, %swap3A_519] {strides = array<i32>} : memref<1x26x1000xf32, #tpu.memory_space<vmem>>, vector<16xf32>,
      tpu.vector_store %arg6[%swap3A_517, %swap3A_518, %swap3A_519], %broadcast_in_dim3A_7 {strides = array<i32>} : memref<1x26x1000xf32, #tpu.memory_space<vmem>>, vector<16xf32>,
      %swap3A_521 = arith.constant 0 : i32
      %swap3A_522 = arith.index_cast %swap3A_521 : i32 to index
      %swap3A_523 = arith.index_cast %scan3A_66 : i32 to index
      %swap3A_524 = arith.constant 448 : index
      %swap3A_525 = tpu.vector_load %arg6[%swap3A_522, %swap3A_523, %swap3A_524] {strides = array<i32>} : memref<1x26x1000xf32, #tpu.memory_space<vmem>>, vector<16xf32>,
      tpu.vector_store %arg6[%swap3A_522, %swap3A_523, %swap3A_524], %broadcast_in_dim3A_7 {strides = array<i32>} : memref<1x26x1000xf32, #tpu.memory_space<vmem>>, vector<16xf32>,
      %swap3A_526 = arith.constant 0 : i32
      %swap3A_527 = arith.index_cast %swap3A_526 : i32 to index
      %swap3A_528 = arith.index_cast %scan3A_66 : i32 to index
      %swap3A_529 = arith.constant 464 : index
      %swap3A_530 = tpu.vector_load %arg6[%swap3A_527, %swap3A_528, %swap3A_529] {strides = array<i32>} : memref<1x26x1000xf32, #tpu.memory_space<vmem>>, vector<16xf32>,
      tpu.vector_store %arg6[%swap3A_527, %swap3A_528, %swap3A_529], %broadcast_in_dim3A_7 {strides = array<i32>} : memref<1x26x1000xf32, #tpu.memory_space<vmem>>, vector<16xf32>,
      %swap3A_531 = arith.constant 0 : i32
      %swap3A_532 = arith.index_cast %swap3A_531 : i32 to index
      %swap3A_533 = arith.index_cast %scan3A_66 : i32 to index
      %swap3A_534 = arith.constant 480 : index
      %swap3A_535 = tpu.vector_load %arg6[%swap3A_532, %swap3A_533, %swap3A_534] {strides = array<i32>} : memref<1x26x1000xf32, #tpu.memory_space<vmem>>, vector<16xf32>,
      tpu.vector_store %arg6[%swap3A_532, %swap3A_533, %swap3A_534], %broadcast_in_dim3A_7 {strides = array<i32>} : memref<1x26x1000xf32, #tpu.memory_space<vmem>>, vector<16xf32>,
      %swap3A_536 = arith.constant 0 : i32
      %swap3A_537 = arith.index_cast %swap3A_536 : i32 to index
      %swap3A_538 = arith.index_cast %scan3A_66 : i32 to index
      %swap3A_539 = arith.constant 496 : index
      %swap3A_540 = tpu.vector_load %arg6[%swap3A_537, %swap3A_538, %swap3A_539] {strides = array<i32>} : memref<1x26x1000xf32, #tpu.memory_space<vmem>>, vector<16xf32>,
      tpu.vector_store %arg6[%swap3A_537, %swap3A_538, %swap3A_539], %broadcast_in_dim3A_7 {strides = array<i32>} : memref<1x26x1000xf32, #tpu.memory_space<vmem>>, vector<16xf32>,
      %swap3A_541 = arith.constant 0 : i32
      %swap3A_542 = arith.index_cast %swap3A_541 : i32 to index
      %swap3A_543 = arith.index_cast %scan3A_66 : i32 to index
      %swap3A_544 = arith.constant 512 : index
      %swap3A_545 = tpu.vector_load %arg6[%swap3A_542, %swap3A_543, %swap3A_544] {strides = array<i32>} : memref<1x26x1000xf32, #tpu.memory_space<vmem>>, vector<16xf32>,
      tpu.vector_store %arg6[%swap3A_542, %swap3A_543, %swap3A_544], %broadcast_in_dim3A_7 {strides = array<i32>} : memref<1x26x1000xf32, #tpu.memory_space<vmem>>, vector<16xf32>,
      %swap3A_546 = arith.constant 0 : i32
      %swap3A_547 = arith.index_cast %swap3A_546 : i32 to index
      %swap3A_548 = arith.index_cast %scan3A_66 : i32 to index
      %swap3A_549 = arith.constant 528 : index
      %swap3A_550 = tpu.vector_load %arg6[%swap3A_547, %swap3A_548, %swap3A_549] {strides = array<i32>} : memref<1x26x1000xf32, #tpu.memory_space<vmem>>, vector<16xf32>,
      tpu.vector_store %arg6[%swap3A_547, %swap3A_548, %swap3A_549], %broadcast_in_dim3A_7 {strides = array<i32>} : memref<1x26x1000xf32, #tpu.memory_space<vmem>>, vector<16xf32>,
      %swap3A_551 = arith.constant 0 : i32
      %swap3A_552 = arith.index_cast %swap3A_551 : i32 to index
      %swap3A_553 = arith.index_cast %scan3A_66 : i32 to index
      %swap3A_554 = arith.constant 544 : index
      %swap3A_555 = tpu.vector_load %arg6[%swap3A_552, %swap3A_553, %swap3A_554] {strides = array<i32>} : memref<1x26x1000xf32, #tpu.memory_space<vmem>>, vector<16xf32>,
      tpu.vector_store %arg6[%swap3A_552, %swap3A_553, %swap3A_554], %broadcast_in_dim3A_7 {strides = array<i32>} : memref<1x26x1000xf32, #tpu.memory_space<vmem>>, vector<16xf32>,
      %swap3A_556 = arith.constant 0 : i32
      %swap3A_557 = arith.index_cast %swap3A_556 : i32 to index
      %swap3A_558 = arith.index_cast %scan3A_66 : i32 to index
      %swap3A_559 = arith.constant 560 : index
      %swap3A_560 = tpu.vector_load %arg6[%swap3A_557, %swap3A_558, %swap3A_559] {strides = array<i32>} : memref<1x26x1000xf32, #tpu.memory_space<vmem>>, vector<16xf32>,
      tpu.vector_store %arg6[%swap3A_557, %swap3A_558, %swap3A_559], %broadcast_in_dim3A_7 {strides = array<i32>} : memref<1x26x1000xf32, #tpu.memory_space<vmem>>, vector<16xf32>,
      %swap3A_561 = arith.constant 0 : i32
      %swap3A_562 = arith.index_cast %swap3A_561 : i32 to index
      %swap3A_563 = arith.index_cast %scan3A_66 : i32 to index
      %swap3A_564 = arith.constant 576 : index
      %swap3A_565 = tpu.vector_load %arg6[%swap3A_562, %swap3A_563, %swap3A_564] {strides = array<i32>} : memref<1x26x1000xf32, #tpu.memory_space<vmem>>, vector<16xf32>,
      tpu.vector_store %arg6[%swap3A_562, %swap3A_563, %swap3A_564], %broadcast_in_dim3A_7 {strides = array<i32>} : memref<1x26x1000xf32, #tpu.memory_space<vmem>>, vector<16xf32>,
      %swap3A_566 = arith.constant 0 : i32
      %swap3A_567 = arith.index_cast %swap3A_566 : i32 to index
      %swap3A_568 = arith.index_cast %scan3A_66 : i32 to index
      %swap3A_569 = arith.constant 592 : index
      %swap3A_570 = tpu.vector_load %arg6[%swap3A_567, %swap3A_568, %swap3A_569] {strides = array<i32>} : memref<1x26x1000xf32, #tpu.memory_space<vmem>>, vector<16xf32>,
      tpu.vector_store %arg6[%swap3A_567, %swap3A_568, %swap3A_569], %broadcast_in_dim3A_7 {strides = array<i32>} : memref<1x26x1000xf32, #tpu.memory_space<vmem>>, vector<16xf32>,
      %swap3A_571 = arith.constant 0 : i32
      %swap3A_572 = arith.index_cast %swap3A_571 : i32 to index
      %swap3A_573 = arith.index_cast %scan3A_66 : i32 to index
      %swap3A_574 = arith.constant 608 : index
      %swap3A_575 = tpu.vector_load %arg6[%swap3A_572, %swap3A_573, %swap3A_574] {strides = array<i32>} : memref<1x26x1000xf32, #tpu.memory_space<vmem>>, vector<16xf32>,
      tpu.vector_store %arg6[%swap3A_572, %swap3A_573, %swap3A_574], %broadcast_in_dim3A_7 {strides = array<i32>} : memref<1x26x1000xf32, #tpu.memory_space<vmem>>, vector<16xf32>,
      %swap3A_576 = arith.constant 0 : i32
      %swap3A_577 = arith.index_cast %swap3A_576 : i32 to index
      %swap3A_578 = arith.index_cast %scan3A_66 : i32 to index
      %swap3A_579 = arith.constant 624 : index
      %swap3A_580 = tpu.vector_load %arg6[%swap3A_577, %swap3A_578, %swap3A_579] {strides = array<i32>} : memref<1x26x1000xf32, #tpu.memory_space<vmem>>, vector<16xf32>,
      tpu.vector_store %arg6[%swap3A_577, %swap3A_578, %swap3A_579], %broadcast_in_dim3A_7 {strides = array<i32>} : memref<1x26x1000xf32, #tpu.memory_space<vmem>>, vector<16xf32>,
      %swap3A_581 = arith.constant 0 : i32
      %swap3A_582 = arith.index_cast %swap3A_581 : i32 to index
      %swap3A_583 = arith.index_cast %scan3A_66 : i32 to index
      %swap3A_584 = arith.constant 640 : index
      %swap3A_585 = tpu.vector_load %arg6[%swap3A_582, %swap3A_583, %swap3A_584] {strides = array<i32>} : memref<1x26x1000xf32, #tpu.memory_space<vmem>>, vector<16xf32>,
      tpu.vector_store %arg6[%swap3A_582, %swap3A_583, %swap3A_584], %broadcast_in_dim3A_7 {strides = array<i32>} : memref<1x26x1000xf32, #tpu.memory_space<vmem>>, vector<16xf32>,
      %swap3A_586 = arith.constant 0 : i32
      %swap3A_587 = arith.index_cast %swap3A_586 : i32 to index
      %swap3A_588 = arith.index_cast %scan3A_66 : i32 to index
      %swap3A_589 = arith.constant 656 : index
      %swap3A_590 = tpu.vector_load %arg6[%swap3A_587, %swap3A_588, %swap3A_589] {strides = array<i32>} : memref<1x26x1000xf32, #tpu.memory_space<vmem>>, vector<16xf32>,
      tpu.vector_store %arg6[%swap3A_587, %swap3A_588, %swap3A_589], %broadcast_in_dim3A_7 {strides = array<i32>} : memref<1x26x1000xf32, #tpu.memory_space<vmem>>, vector<16xf32>,
      %swap3A_591 = arith.constant 0 : i32
      %swap3A_592 = arith.index_cast %swap3A_591 : i32 to index
      %swap3A_593 = arith.index_cast %scan3A_66 : i32 to index
      %swap3A_594 = arith.constant 672 : index
      %swap3A_595 = tpu.vector_load %arg6[%swap3A_592, %swap3A_593, %swap3A_594] {strides = array<i32>} : memref<1x26x1000xf32, #tpu.memory_space<vmem>>, vector<16xf32>,
      tpu.vector_store %arg6[%swap3A_592, %swap3A_593, %swap3A_594], %broadcast_in_dim3A_7 {strides = array<i32>} : memref<1x26x1000xf32, #tpu.memory_space<vmem>>, vector<16xf32>,
      %swap3A_596 = arith.constant 0 : i32
      %swap3A_597 = arith.index_cast %swap3A_596 : i32 to index
      %swap3A_598 = arith.index_cast %scan3A_66 : i32 to index
      %swap3A_599 = arith.constant 688 : index
      %swap3A_600 = tpu.vector_load %arg6[%swap3A_597, %swap3A_598, %swap3A_599] {strides = array<i32>} : memref<1x26x1000xf32, #tpu.memory_space<vmem>>, vector<16xf32>,
      tpu.vector_store %arg6[%swap3A_597, %swap3A_598, %swap3A_599], %broadcast_in_dim3A_7 {strides = array<i32>} : memref<1x26x1000xf32, #tpu.memory_space<vmem>>, vector<16xf32>,
      %swap3A_601 = arith.constant 0 : i32
      %swap3A_602 = arith.index_cast %swap3A_601 : i32 to index
      %swap3A_603 = arith.index_cast %scan3A_66 : i32 to index
      %swap3A_604 = arith.constant 704 : index
      %swap3A_605 = tpu.vector_load %arg6[%swap3A_602, %swap3A_603, %swap3A_604] {strides = array<i32>} : memref<1x26x1000xf32, #tpu.memory_space<vmem>>, vector<16xf32>,
      tpu.vector_store %arg6[%swap3A_602, %swap3A_603, %swap3A_604], %broadcast_in_dim3A_7 {strides = array<i32>} : memref<1x26x1000xf32, #tpu.memory_space<vmem>>, vector<16xf32>,
      %swap3A_606 = arith.constant 0 : i32
      %swap3A_607 = arith.index_cast %swap3A_606 : i32 to index
      %swap3A_608 = arith.index_cast %scan3A_66 : i32 to index
      %swap3A_609 = arith.constant 720 : index
      %swap3A_610 = tpu.vector_load %arg6[%swap3A_607, %swap3A_608, %swap3A_609] {strides = array<i32>} : memref<1x26x1000xf32, #tpu.memory_space<vmem>>, vector<16xf32>,
      tpu.vector_store %arg6[%swap3A_607, %swap3A_608, %swap3A_609], %broadcast_in_dim3A_7 {strides = array<i32>} : memref<1x26x1000xf32, #tpu.memory_space<vmem>>, vector<16xf32>,
      %swap3A_611 = arith.constant 0 : i32
      %swap3A_612 = arith.index_cast %swap3A_611 : i32 to index
      %swap3A_613 = arith.index_cast %scan3A_66 : i32 to index
      %swap3A_614 = arith.constant 736 : index
      %swap3A_615 = tpu.vector_load %arg6[%swap3A_612, %swap3A_613, %swap3A_614] {strides = array<i32>} : memref<1x26x1000xf32, #tpu.memory_space<vmem>>, vector<16xf32>,
      tpu.vector_store %arg6[%swap3A_612, %swap3A_613, %swap3A_614], %broadcast_in_dim3A_7 {strides = array<i32>} : memref<1x26x1000xf32, #tpu.memory_space<vmem>>, vector<16xf32>,
      %swap3A_616 = arith.constant 0 : i32
      %swap3A_617 = arith.index_cast %swap3A_616 : i32 to index
      %swap3A_618 = arith.index_cast %scan3A_66 : i32 to index
      %swap3A_619 = arith.constant 752 : index
      %swap3A_620 = tpu.vector_load %arg6[%swap3A_617, %swap3A_618, %swap3A_619] {strides = array<i32>} : memref<1x26x1000xf32, #tpu.memory_space<vmem>>, vector<16xf32>,
      tpu.vector_store %arg6[%swap3A_617, %swap3A_618, %swap3A_619], %broadcast_in_dim3A_7 {strides = array<i32>} : memref<1x26x1000xf32, #tpu.memory_space<vmem>>, vector<16xf32>,
      %swap3A_621 = arith.constant 0 : i32
      %swap3A_622 = arith.index_cast %swap3A_621 : i32 to index
      %swap3A_623 = arith.index_cast %scan3A_66 : i32 to index
      %swap3A_624 = arith.constant 768 : index
      %swap3A_625 = tpu.vector_load %arg6[%swap3A_622, %swap3A_623, %swap3A_624] {strides = array<i32>} : memref<1x26x1000xf32, #tpu.memory_space<vmem>>, vector<16xf32>,
      tpu.vector_store %arg6[%swap3A_622, %swap3A_623, %swap3A_624], %broadcast_in_dim3A_7 {strides = array<i32>} : memref<1x26x1000xf32, #tpu.memory_space<vmem>>, vector<16xf32>,
      %swap3A_626 = arith.constant 0 : i32
      %swap3A_627 = arith.index_cast %swap3A_626 : i32 to index
      %swap3A_628 = arith.index_cast %scan3A_66 : i32 to index
      %swap3A_629 = arith.constant 784 : index
      %swap3A_630 = tpu.vector_load %arg6[%swap3A_627, %swap3A_628, %swap3A_629] {strides = array<i32>} : memref<1x26x1000xf32, #tpu.memory_space<vmem>>, vector<16xf32>,
      tpu.vector_store %arg6[%swap3A_627, %swap3A_628, %swap3A_629], %broadcast_in_dim3A_7 {strides = array<i32>} : memref<1x26x1000xf32, #tpu.memory_space<vmem>>, vector<16xf32>,
      %swap3A_631 = arith.constant 0 : i32
      %swap3A_632 = arith.index_cast %swap3A_631 : i32 to index
      %swap3A_633 = arith.index_cast %scan3A_66 : i32 to index
      %swap3A_634 = arith.constant 800 : index
      %swap3A_635 = tpu.vector_load %arg6[%swap3A_632, %swap3A_633, %swap3A_634] {strides = array<i32>} : memref<1x26x1000xf32, #tpu.memory_space<vmem>>, vector<16xf32>,
      tpu.vector_store %arg6[%swap3A_632, %swap3A_633, %swap3A_634], %broadcast_in_dim3A_7 {strides = array<i32>} : memref<1x26x1000xf32, #tpu.memory_space<vmem>>, vector<16xf32>,
      %swap3A_636 = arith.constant 0 : i32
      %swap3A_637 = arith.index_cast %swap3A_636 : i32 to index
      %swap3A_638 = arith.index_cast %scan3A_66 : i32 to index
      %swap3A_639 = arith.constant 816 : index
      %swap3A_640 = tpu.vector_load %arg6[%swap3A_637, %swap3A_638, %swap3A_639] {strides = array<i32>} : memref<1x26x1000xf32, #tpu.memory_space<vmem>>, vector<16xf32>,
      tpu.vector_store %arg6[%swap3A_637, %swap3A_638, %swap3A_639], %broadcast_in_dim3A_7 {strides = array<i32>} : memref<1x26x1000xf32, #tpu.memory_space<vmem>>, vector<16xf32>,
      %swap3A_641 = arith.constant 0 : i32
      %swap3A_642 = arith.index_cast %swap3A_641 : i32 to index
      %swap3A_643 = arith.index_cast %scan3A_66 : i32 to index
      %swap3A_644 = arith.constant 832 : index
      %swap3A_645 = tpu.vector_load %arg6[%swap3A_642, %swap3A_643, %swap3A_644] {strides = array<i32>} : memref<1x26x1000xf32, #tpu.memory_space<vmem>>, vector<16xf32>,
      tpu.vector_store %arg6[%swap3A_642, %swap3A_643, %swap3A_644], %broadcast_in_dim3A_7 {strides = array<i32>} : memref<1x26x1000xf32, #tpu.memory_space<vmem>>, vector<16xf32>,
      %swap3A_646 = arith.constant 0 : i32
      %swap3A_647 = arith.index_cast %swap3A_646 : i32 to index
      %swap3A_648 = arith.index_cast %scan3A_66 : i32 to index
      %swap3A_649 = arith.constant 848 : index
      %swap3A_650 = tpu.vector_load %arg6[%swap3A_647, %swap3A_648, %swap3A_649] {strides = array<i32>} : memref<1x26x1000xf32, #tpu.memory_space<vmem>>, vector<16xf32>,
      tpu.vector_store %arg6[%swap3A_647, %swap3A_648, %swap3A_649], %broadcast_in_dim3A_7 {strides = array<i32>} : memref<1x26x1000xf32, #tpu.memory_space<vmem>>, vector<16xf32>,
      %swap3A_651 = arith.constant 0 : i32
      %swap3A_652 = arith.index_cast %swap3A_651 : i32 to index
      %swap3A_653 = arith.index_cast %scan3A_66 : i32 to index
      %swap3A_654 = arith.constant 864 : index
      %swap3A_655 = tpu.vector_load %arg6[%swap3A_652, %swap3A_653, %swap3A_654] {strides = array<i32>} : memref<1x26x1000xf32, #tpu.memory_space<vmem>>, vector<16xf32>,
      tpu.vector_store %arg6[%swap3A_652, %swap3A_653, %swap3A_654], %broadcast_in_dim3A_7 {strides = array<i32>} : memref<1x26x1000xf32, #tpu.memory_space<vmem>>, vector<16xf32>,
      %swap3A_656 = arith.constant 0 : i32
      %swap3A_657 = arith.index_cast %swap3A_656 : i32 to index
      %swap3A_658 = arith.index_cast %scan3A_66 : i32 to index
      %swap3A_659 = arith.constant 880 : index
      %swap3A_660 = tpu.vector_load %arg6[%swap3A_657, %swap3A_658, %swap3A_659] {strides = array<i32>} : memref<1x26x1000xf32, #tpu.memory_space<vmem>>, vector<16xf32>,
      tpu.vector_store %arg6[%swap3A_657, %swap3A_658, %swap3A_659], %broadcast_in_dim3A_7 {strides = array<i32>} : memref<1x26x1000xf32, #tpu.memory_space<vmem>>, vector<16xf32>,
      %swap3A_661 = arith.constant 0 : i32
      %swap3A_662 = arith.index_cast %swap3A_661 : i32 to index
      %swap3A_663 = arith.index_cast %scan3A_66 : i32 to index
      %swap3A_664 = arith.constant 896 : index
      %swap3A_665 = tpu.vector_load %arg6[%swap3A_662, %swap3A_663, %swap3A_664] {strides = array<i32>} : memref<1x26x1000xf32, #tpu.memory_space<vmem>>, vector<16xf32>,
      tpu.vector_store %arg6[%swap3A_662, %swap3A_663, %swap3A_664], %broadcast_in_dim3A_7 {strides = array<i32>} : memref<1x26x1000xf32, #tpu.memory_space<vmem>>, vector<16xf32>,
      %swap3A_666 = arith.constant 0 : i32
      %swap3A_667 = arith.index_cast %swap3A_666 : i32 to index
      %swap3A_668 = arith.index_cast %scan3A_66 : i32 to index
      %swap3A_669 = arith.constant 912 : index
      %swap3A_670 = tpu.vector_load %arg6[%swap3A_667, %swap3A_668, %swap3A_669] {strides = array<i32>} : memref<1x26x1000xf32, #tpu.memory_space<vmem>>, vector<16xf32>,
      tpu.vector_store %arg6[%swap3A_667, %swap3A_668, %swap3A_669], %broadcast_in_dim3A_7 {strides = array<i32>} : memref<1x26x1000xf32, #tpu.memory_space<vmem>>, vector<16xf32>,
      %swap3A_671 = arith.constant 0 : i32
      %swap3A_672 = arith.index_cast %swap3A_671 : i32 to index
      %swap3A_673 = arith.index_cast %scan3A_66 : i32 to index
      %swap3A_674 = arith.constant 928 : index
      %swap3A_675 = tpu.vector_load %arg6[%swap3A_672, %swap3A_673, %swap3A_674] {strides = array<i32>} : memref<1x26x1000xf32, #tpu.memory_space<vmem>>, vector<16xf32>,
      tpu.vector_store %arg6[%swap3A_672, %swap3A_673, %swap3A_674], %broadcast_in_dim3A_7 {strides = array<i32>} : memref<1x26x1000xf32, #tpu.memory_space<vmem>>, vector<16xf32>,
      %swap3A_676 = arith.constant 0 : i32
      %swap3A_677 = arith.index_cast %swap3A_676 : i32 to index
      %swap3A_678 = arith.index_cast %scan3A_66 : i32 to index
      %swap3A_679 = arith.constant 944 : index
      %swap3A_680 = tpu.vector_load %arg6[%swap3A_677, %swap3A_678, %swap3A_679] {strides = array<i32>} : memref<1x26x1000xf32, #tpu.memory_space<vmem>>, vector<16xf32>,
      tpu.vector_store %arg6[%swap3A_677, %swap3A_678, %swap3A_679], %broadcast_in_dim3A_7 {strides = array<i32>} : memref<1x26x1000xf32, #tpu.memory_space<vmem>>, vector<16xf32>,
      %swap3A_681 = arith.constant 0 : i32
      %swap3A_682 = arith.index_cast %swap3A_681 : i32 to index
      %swap3A_683 = arith.index_cast %scan3A_66 : i32 to index
      %swap3A_684 = arith.constant 960 : index
      %swap3A_685 = tpu.vector_load %arg6[%swap3A_682, %swap3A_683, %swap3A_684] {strides = array<i32>} : memref<1x26x1000xf32, #tpu.memory_space<vmem>>, vector<16xf32>,
      tpu.vector_store %arg6[%swap3A_682, %swap3A_683, %swap3A_684], %broadcast_in_dim3A_7 {strides = array<i32>} : memref<1x26x1000xf32, #tpu.memory_space<vmem>>, vector<16xf32>,
      %swap3A_686 = arith.constant 0 : i32
      %swap3A_687 = arith.index_cast %swap3A_686 : i32 to index
      %swap3A_688 = arith.index_cast %scan3A_66 : i32 to index
      %swap3A_689 = arith.constant 976 : index
      %swap3A_690 = tpu.vector_load %arg6[%swap3A_687, %swap3A_688, %swap3A_689] {strides = array<i32>} : memref<1x26x1000xf32, #tpu.memory_space<vmem>>, vector<16xf32>,
      tpu.vector_store %arg6[%swap3A_687, %swap3A_688, %swap3A_689], %broadcast_in_dim3A_7 {strides = array<i32>} : memref<1x26x1000xf32, #tpu.memory_space<vmem>>, vector<16xf32>,
      %swap3A_691 = arith.constant 0 : i32
      %swap3A_692 = arith.index_cast %swap3A_691 : i32 to index
      %swap3A_693 = arith.index_cast %scan3A_66 : i32 to index
      %swap3A_694 = arith.constant 984 : index
      %swap3A_695 = tpu.vector_load %arg6[%swap3A_692, %swap3A_693, %swap3A_694] {strides = array<i32>} : memref<1x26x1000xf32, #tpu.memory_space<vmem>>, vector<16xf32>,
      tpu.vector_store %arg6[%swap3A_692, %swap3A_693, %swap3A_694], %broadcast_in_dim3A_7 {strides = array<i32>} : memref<1x26x1000xf32, #tpu.memory_space<vmem>>, vector<16xf32>,
    }
    %scan3A_12 = arith.constant 26 : i32
    %get3A = arith.constant 0 : index
    %get3A_13 = tpu.vector_load %arg4[%get3A] {strides = array<i32>} : memref<3328xi32, #tpu.memory_space<vmem>>, vector<16xi32>,
    %get3A_14 = arith.constant 10 : index
    %get3A_15 = tpu.vector_load %arg4[%get3A_14] {strides = array<i32>} : memref<3328xi32, #tpu.memory_space<vmem>>, vector<16xi32>,
    %broadcast_in_dim3A_16 = arith.constant 0 : i32
    %broadcast_in_dim3A_17 = vector.broadcast %broadcast_in_dim3A_16 : i32 to vector<16xi32>
    tpu.vector_store_idx %arg5[%broadcast_in_dim3A_17, %iota3A, %get3A_13], %broadcast_in_dim3A_5 : memref<1x26x1000xf32, #tpu.memory_space<vmem>>[vector<16xi32>, vector<16xi32>, vector<16xi32>], vector<16xf32>,
    %add3A_18 = arith.constant 10 : i32
    %add3A_19 = vector.broadcast %add3A_18 : i32 to vector<16xi32>
    %add3A_20 = arith.addi %iota3A, %add3A_19 : vector<16xi32>
    tpu.vector_store_idx %arg5[%broadcast_in_dim3A_17, %add3A_20, %get3A_15], %broadcast_in_dim3A_5 : memref<1x26x1000xf32, #tpu.memory_space<vmem>>[vector<16xi32>, vector<16xi32>, vector<16xi32>], vector<16xf32>,
    %add3A_21 = arith.constant 0 : i32
    %add3A_22 = arith.addi %mul3A_2, %add3A_21 : i32
    %dma_start3A = arith.constant 0 : i32
    %dma_start3A_23 = arith.constant 0 : i32
    %dma_start3A_24 = tpu.memref_slice %arg3[%add3A_22, %dma_start3A, %dma_start3A_23] : memref<4096x26x1000xf32, #tpu.memory_space<hbm>> -> memref<1x26x1000xf32, #tpu.memory_space<hbm>>
    %dma_start3A_25 = arith.constant 0 : i32
    %dma_start3A_26 = arith.constant 0 : i32
    %dma_start3A_27 = tpu.memref_slice %arg3[%add3A_22, %dma_start3A_25, %dma_start3A_26] : memref<4096x26x1000xf32, #tpu.memory_space<hbm>> -> memref<1x26x1000xf32, #tpu.memory_space<hbm>>
    tpu.enqueue_dma source(%arg5 : memref<1x26x1000xf32, #tpu.memory_space<vmem>>) target(%dma_start3A_27 : memref<1x26x1000xf32, #tpu.memory_space<hbm>>) target_semaphore(%arg7 : memref<!tpu.dma_semaphore, #tpu.memory_space<semaphore_mem>>)
    %get3A_28 = arith.constant 26 : index
    %get3A_29 = tpu.vector_load %arg4[%get3A_28] {strides = array<i32>} : memref<3328xi32, #tpu.memory_space<vmem>>, vector<16xi32>,
    %get3A_30 = arith.constant 36 : index
    %get3A_31 = tpu.vector_load %arg4[%get3A_30] {strides = array<i32>} : memref<3328xi32, #tpu.memory_space<vmem>>, vector<16xi32>,
    %broadcast_in_dim3A_32 = arith.constant 0 : i32
    %broadcast_in_dim3A_33 = vector.broadcast %broadcast_in_dim3A_32 : i32 to vector<16xi32>
    tpu.vector_store_idx %arg6[%broadcast_in_dim3A_33, %iota3A, %get3A_29], %broadcast_in_dim3A_5 : memref<1x26x1000xf32, #tpu.memory_space<vmem>>[vector<16xi32>, vector<16xi32>, vector<16xi32>], vector<16xf32>,
    %add3A_34 = arith.constant 10 : i32
    %add3A_35 = vector.broadcast %add3A_34 : i32 to vector<16xi32>
    %add3A_36 = arith.addi %iota3A, %add3A_35 : vector<16xi32>
    tpu.vector_store_idx %arg6[%broadcast_in_dim3A_33, %add3A_36, %get3A_31], %broadcast_in_dim3A_5 : memref<1x26x1000xf32, #tpu.memory_space<vmem>>[vector<16xi32>, vector<16xi32>, vector<16xi32>], vector<16xf32>,
    %add3A_37 = arith.constant 1 : i32
    %add3A_38 = arith.addi %mul3A_2, %add3A_37 : i32
    %dma_start3A_39 = arith.constant 0 : i32
    %dma_start3A_40 = arith.constant 0 : i32
    %dma_start3A_41 = tpu.memref_slice %arg3[%add3A_38, %dma_start3A_39, %dma_start3A_40] : memref<4096x26x1000xf32, #tpu.memory_space<hbm>> -> memref<1x26x1000xf32, #tpu.memory_space<hbm>>
    %dma_start3A_42 = arith.constant 0 : i32
    %dma_start3A_43 = arith.constant 0 : i32
    %dma_start3A_44 = tpu.memref_slice %arg3[%add3A_38, %dma_start3A_42, %dma_start3A_43] : memref<4096x26x1000xf32, #tpu.memory_space<hbm>> -> memref<1x26x1000xf32, #tpu.memory_space<hbm>>
    tpu.enqueue_dma source(%arg6 : memref<1x26x1000xf32, #tpu.memory_space<vmem>>) target(%dma_start3A_44 : memref<1x26x1000xf32, #tpu.memory_space<hbm>>) target_semaphore(%arg8 : memref<!tpu.dma_semaphore, #tpu.memory_space<semaphore_mem>>)
    %scan3A_45 = arith.constant 0 : i32
    %scan3A_46 = arith.constant 1 : i32
    %scan3A_47 = arith.constant 63 : i32
    %scan3A_48 = arith.addi %scan3A_46, %scan3A_47 : i32
    %scan3A_49 = arith.constant 1 : i32
    scf.for %scan3A_66 = %scan3A_46 to %scan3A_48 step %scan3A_49  : i32 {
      %mul3A_67 = arith.constant 2 : i32
      %mul3A_68 = arith.muli %scan3A_66, %mul3A_67 : i32
      %add3A_69 = arith.constant 0 : i32
      %add3A_70 = arith.addi %mul3A_68, %add3A_69 : i32
      %sub3A = arith.constant 2 : i32
      %sub3A_71 = arith.subi %add3A_70, %sub3A : i32
      %mul3A_72 = arith.constant 1 : i32
      %mul3A_73 = arith.muli %sub3A_71, %mul3A_72 : i32
      %add3A_74 = arith.addi %mul3A_2, %mul3A_73 : i32
      %dma_wait3A_75 = arith.constant 0 : i32
      %dma_wait3A_76 = arith.constant 0 : i32
      %dma_wait3A_77 = tpu.memref_slice %arg3[%add3A_74, %dma_wait3A_75, %dma_wait3A_76] : memref<4096x26x1000xf32, #tpu.memory_space<hbm>> -> memref<1x26x1000xf32, #tpu.memory_space<hbm>>
      %dma_wait3A_78 = arith.constant 0 : i32
      %dma_wait3A_79 = arith.constant 0 : i32
      %dma_wait3A_80 = tpu.memref_slice %arg3[%add3A_74, %dma_wait3A_78, %dma_wait3A_79] : memref<4096x26x1000xf32, #tpu.memory_space<hbm>> -> memref<1x26x1000xf32, #tpu.memory_space<hbm>>
      tpu.wait_dma2 semaphore(%arg7 : memref<!tpu.dma_semaphore, #tpu.memory_space<semaphore_mem>>) src(%arg5 : memref<1x26x1000xf32, #tpu.memory_space<vmem>>) dst(%dma_wait3A_80 : memref<1x26x1000xf32, #tpu.memory_space<hbm>>)
      %sub3A_81 = arith.constant 2 : i32
      %sub3A_82 = arith.subi %add3A_70, %sub3A_81 : i32
      %mul3A_83 = arith.constant 1 : i32
      %mul3A_84 = arith.muli %sub3A_82, %mul3A_83 : i32
      %add3A_85 = arith.constant 0 : i32
      %add3A_86 = arith.addi %mul3A_84, %add3A_85 : i32
      %mul3A_87 = arith.constant 26 : i32
      %mul3A_88 = arith.muli %add3A_86, %mul3A_87 : i32
      %get3A_89 = arith.index_cast %mul3A_88 : i32 to index
      %get3A_90 = tpu.vector_load %arg4[%get3A_89] {strides = array<i32>} : memref<3328xi32, #tpu.memory_space<vmem>>, vector<16xi32>,
      %add3A_91 = arith.constant 10 : i32
      %add3A_92 = arith.addi %mul3A_88, %add3A_91 : i32
      %get3A_93 = arith.index_cast %add3A_92 : i32 to index
      %get3A_94 = tpu.vector_load %arg4[%get3A_93] {strides = array<i32>} : memref<3328xi32, #tpu.memory_space<vmem>>, vector<16xi32>,
      %broadcast_in_dim3A_95 = arith.constant 0 : i32
      %broadcast_in_dim3A_96 = vector.broadcast %broadcast_in_dim3A_95 : i32 to vector<16xi32>
      tpu.vector_store_idx %arg5[%broadcast_in_dim3A_96, %iota3A, %get3A_90], %broadcast_in_dim3A_7 : memref<1x26x1000xf32, #tpu.memory_space<vmem>>[vector<16xi32>, vector<16xi32>, vector<16xi32>], vector<16xf32>,
      %add3A_97 = arith.constant 10 : i32
      %add3A_98 = vector.broadcast %add3A_97 : i32 to vector<16xi32>
      %add3A_99 = arith.addi %iota3A, %add3A_98 : vector<16xi32>
      tpu.vector_store_idx %arg5[%broadcast_in_dim3A_96, %add3A_99, %get3A_94], %broadcast_in_dim3A_7 : memref<1x26x1000xf32, #tpu.memory_space<vmem>>[vector<16xi32>, vector<16xi32>, vector<16xi32>], vector<16xf32>,
      %mul3A_100 = arith.constant 1 : i32
      %mul3A_101 = arith.muli %add3A_70, %mul3A_100 : i32
      %add3A_102 = arith.constant 0 : i32
      %add3A_103 = arith.addi %mul3A_101, %add3A_102 : i32
      %mul3A_104 = arith.constant 26 : i32
      %mul3A_105 = arith.muli %add3A_103, %mul3A_104 : i32
      %get3A_106 = arith.index_cast %mul3A_105 : i32 to index
      %get3A_107 = tpu.vector_load %arg4[%get3A_106] {strides = array<i32>} : memref<3328xi32, #tpu.memory_space<vmem>>, vector<16xi32>,
      %add3A_108 = arith.constant 10 : i32
      %add3A_109 = arith.addi %mul3A_105, %add3A_108 : i32
      %get3A_110 = arith.index_cast %add3A_109 : i32 to index
      %get3A_111 = tpu.vector_load %arg4[%get3A_110] {strides = array<i32>} : memref<3328xi32, #tpu.memory_space<vmem>>, vector<16xi32>,
      %broadcast_in_dim3A_112 = arith.constant 0 : i32
      %broadcast_in_dim3A_113 = vector.broadcast %broadcast_in_dim3A_112 : i32 to vector<16xi32>
      tpu.vector_store_idx %arg5[%broadcast_in_dim3A_113, %iota3A, %get3A_107], %broadcast_in_dim3A_5 : memref<1x26x1000xf32, #tpu.memory_space<vmem>>[vector<16xi32>, vector<16xi32>, vector<16xi32>], vector<16xf32>,
      %add3A_114 = arith.constant 10 : i32
      %add3A_115 = vector.broadcast %add3A_114 : i32 to vector<16xi32>
      %add3A_116 = arith.addi %iota3A, %add3A_115 : vector<16xi32>
      tpu.vector_store_idx %arg5[%broadcast_in_dim3A_113, %add3A_116, %get3A_111], %broadcast_in_dim3A_5 : memref<1x26x1000xf32, #tpu.memory_space<vmem>>[vector<16xi32>, vector<16xi32>, vector<16xi32>], vector<16xf32>,
      %mul3A_117 = arith.constant 1 : i32
      %mul3A_118 = arith.muli %add3A_70, %mul3A_117 : i32
      %add3A_119 = arith.addi %mul3A_2, %mul3A_118 : i32
      %dma_start3A_120 = arith.constant 0 : i32
      %dma_start3A_121 = arith.constant 0 : i32
      %dma_start3A_122 = tpu.memref_slice %arg3[%add3A_119, %dma_start3A_120, %dma_start3A_121] : memref<4096x26x1000xf32, #tpu.memory_space<hbm>> -> memref<1x26x1000xf32, #tpu.memory_space<hbm>>
      %dma_start3A_123 = arith.constant 0 : i32
      %dma_start3A_124 = arith.constant 0 : i32
      %dma_start3A_125 = tpu.memref_slice %arg3[%add3A_119, %dma_start3A_123, %dma_start3A_124] : memref<4096x26x1000xf32, #tpu.memory_space<hbm>> -> memref<1x26x1000xf32, #tpu.memory_space<hbm>>
      tpu.enqueue_dma source(%arg5 : memref<1x26x1000xf32, #tpu.memory_space<vmem>>) target(%dma_start3A_125 : memref<1x26x1000xf32, #tpu.memory_space<hbm>>) target_semaphore(%arg7 : memref<!tpu.dma_semaphore, #tpu.memory_space<semaphore_mem>>)
      %mul3A_126 = arith.constant 2 : i32
      %mul3A_127 = arith.muli %scan3A_66, %mul3A_126 : i32
      %add3A_128 = arith.constant 1 : i32
      %add3A_129 = arith.addi %mul3A_127, %add3A_128 : i32
      %sub3A_130 = arith.constant 2 : i32
      %sub3A_131 = arith.subi %add3A_129, %sub3A_130 : i32
      %mul3A_132 = arith.constant 1 : i32
      %mul3A_133 = arith.muli %sub3A_131, %mul3A_132 : i32
      %add3A_134 = arith.addi %mul3A_2, %mul3A_133 : i32
      %dma_wait3A_135 = arith.constant 0 : i32
      %dma_wait3A_136 = arith.constant 0 : i32
      %dma_wait3A_137 = tpu.memref_slice %arg3[%add3A_134, %dma_wait3A_135, %dma_wait3A_136] : memref<4096x26x1000xf32, #tpu.memory_space<hbm>> -> memref<1x26x1000xf32, #tpu.memory_space<hbm>>
      %dma_wait3A_138 = arith.constant 0 : i32
      %dma_wait3A_139 = arith.constant 0 : i32
      %dma_wait3A_140 = tpu.memref_slice %arg3[%add3A_134, %dma_wait3A_138, %dma_wait3A_139] : memref<4096x26x1000xf32, #tpu.memory_space<hbm>> -> memref<1x26x1000xf32, #tpu.memory_space<hbm>>
      tpu.wait_dma2 semaphore(%arg8 : memref<!tpu.dma_semaphore, #tpu.memory_space<semaphore_mem>>) src(%arg6 : memref<1x26x1000xf32, #tpu.memory_space<vmem>>) dst(%dma_wait3A_140 : memref<1x26x1000xf32, #tpu.memory_space<hbm>>)
      %sub3A_141 = arith.constant 2 : i32
      %sub3A_142 = arith.subi %add3A_129, %sub3A_141 : i32
      %mul3A_143 = arith.constant 1 : i32
      %mul3A_144 = arith.muli %sub3A_142, %mul3A_143 : i32
      %add3A_145 = arith.constant 0 : i32
      %add3A_146 = arith.addi %mul3A_144, %add3A_145 : i32
      %mul3A_147 = arith.constant 26 : i32
      %mul3A_148 = arith.muli %add3A_146, %mul3A_147 : i32
      %get3A_149 = arith.index_cast %mul3A_148 : i32 to index
      %get3A_150 = tpu.vector_load %arg4[%get3A_149] {strides = array<i32>} : memref<3328xi32, #tpu.memory_space<vmem>>, vector<16xi32>,
      %add3A_151 = arith.constant 10 : i32
      %add3A_152 = arith.addi %mul3A_148, %add3A_151 : i32
      %get3A_153 = arith.index_cast %add3A_152 : i32 to index
      %get3A_154 = tpu.vector_load %arg4[%get3A_153] {strides = array<i32>} : memref<3328xi32, #tpu.memory_space<vmem>>, vector<16xi32>,
      %broadcast_in_dim3A_155 = arith.constant 0 : i32
      %broadcast_in_dim3A_156 = vector.broadcast %broadcast_in_dim3A_155 : i32 to vector<16xi32>
      tpu.vector_store_idx %arg6[%broadcast_in_dim3A_156, %iota3A, %get3A_150], %broadcast_in_dim3A_7 : memref<1x26x1000xf32, #tpu.memory_space<vmem>>[vector<16xi32>, vector<16xi32>, vector<16xi32>], vector<16xf32>,
      %add3A_157 = arith.constant 10 : i32
      %add3A_158 = vector.broadcast %add3A_157 : i32 to vector<16xi32>
      %add3A_159 = arith.addi %iota3A, %add3A_158 : vector<16xi32>
      tpu.vector_store_idx %arg6[%broadcast_in_dim3A_156, %add3A_159, %get3A_154], %broadcast_in_dim3A_7 : memref<1x26x1000xf32, #tpu.memory_space<vmem>>[vector<16xi32>, vector<16xi32>, vector<16xi32>], vector<16xf32>,
      %mul3A_160 = arith.constant 1 : i32
      %mul3A_161 = arith.muli %add3A_129, %mul3A_160 : i32
      %add3A_162 = arith.constant 0 : i32
      %add3A_163 = arith.addi %mul3A_161, %add3A_162 : i32
      %mul3A_164 = arith.constant 26 : i32
      %mul3A_165 = arith.muli %add3A_163, %mul3A_164 : i32
      %get3A_166 = arith.index_cast %mul3A_165 : i32 to index
      %get3A_167 = tpu.vector_load %arg4[%get3A_166] {strides = array<i32>} : memref<3328xi32, #tpu.memory_space<vmem>>, vector<16xi32>,
      %add3A_168 = arith.constant 10 : i32
      %add3A_169 = arith.addi %mul3A_165, %add3A_168 : i32
      %get3A_170 = arith.index_cast %add3A_169 : i32 to index
      %get3A_171 = tpu.vector_load %arg4[%get3A_170] {strides = array<i32>} : memref<3328xi32, #tpu.memory_space<vmem>>, vector<16xi32>,
      %broadcast_in_dim3A_172 = arith.constant 0 : i32
      %broadcast_in_dim3A_173 = vector.broadcast %broadcast_in_dim3A_172 : i32 to vector<16xi32>
      tpu.vector_store_idx %arg6[%broadcast_in_dim3A_173, %iota3A, %get3A_167], %broadcast_in_dim3A_5 : memref<1x26x1000xf32, #tpu.memory_space<vmem>>[vector<16xi32>, vector<16xi32>, vector<16xi32>], vector<16xf32>,
      %add3A_174 = arith.constant 10 : i32
      %add3A_175 = vector.broadcast %add3A_174 : i32 to vector<16xi32>
      %add3A_176 = arith.addi %iota3A, %add3A_175 : vector<16xi32>
      tpu.vector_store_idx %arg6[%broadcast_in_dim3A_173, %add3A_176, %get3A_171], %broadcast_in_dim3A_5 : memref<1x26x1000xf32, #tpu.memory_space<vmem>>[vector<16xi32>, vector<16xi32>, vector<16xi32>], vector<16xf32>,
      %mul3A_177 = arith.constant 1 : i32
      %mul3A_178 = arith.muli %add3A_129, %mul3A_177 : i32
      %add3A_179 = arith.addi %mul3A_2, %mul3A_178 : i32
      %dma_start3A_180 = arith.constant 0 : i32
      %dma_start3A_181 = arith.constant 0 : i32
      %dma_start3A_182 = tpu.memref_slice %arg3[%add3A_179, %dma_start3A_180, %dma_start3A_181] : memref<4096x26x1000xf32, #tpu.memory_space<hbm>> -> memref<1x26x1000xf32, #tpu.memory_space<hbm>>
      %dma_start3A_183 = arith.constant 0 : i32
      %dma_start3A_184 = arith.constant 0 : i32
      %dma_start3A_185 = tpu.memref_slice %arg3[%add3A_179, %dma_start3A_183, %dma_start3A_184] : memref<4096x26x1000xf32, #tpu.memory_space<hbm>> -> memref<1x26x1000xf32, #tpu.memory_space<hbm>>
      tpu.enqueue_dma source(%arg6 : memref<1x26x1000xf32, #tpu.memory_space<vmem>>) target(%dma_start3A_185 : memref<1x26x1000xf32, #tpu.memory_space<hbm>>) target_semaphore(%arg8 : memref<!tpu.dma_semaphore, #tpu.memory_space<semaphore_mem>>)
    }
    %scan3A_50 = arith.constant 63 : i32
    %add3A_51 = arith.constant 126 : i32
    %add3A_52 = arith.addi %mul3A_2, %add3A_51 : i32
    %dma_wait3A = arith.constant 0 : i32
    %dma_wait3A_53 = arith.constant 0 : i32
    %dma_wait3A_54 = tpu.memref_slice %arg3[%add3A_52, %dma_wait3A, %dma_wait3A_53] : memref<4096x26x1000xf32, #tpu.memory_space<hbm>> -> memref<1x26x1000xf32, #tpu.memory_space<hbm>>
    %dma_wait3A_55 = arith.constant 0 : i32
    %dma_wait3A_56 = arith.constant 0 : i32
    %dma_wait3A_57 = tpu.memref_slice %arg3[%add3A_52, %dma_wait3A_55, %dma_wait3A_56] : memref<4096x26x1000xf32, #tpu.memory_space<hbm>> -> memref<1x26x1000xf32, #tpu.memory_space<hbm>>
    tpu.wait_dma2 semaphore(%arg7 : memref<!tpu.dma_semaphore, #tpu.memory_space<semaphore_mem>>) src(%arg5 : memref<1x26x1000xf32, #tpu.memory_space<vmem>>) dst(%dma_wait3A_57 : memref<1x26x1000xf32, #tpu.memory_space<hbm>>)
    %add3A_58 = arith.constant 127 : i32
    %add3A_59 = arith.addi %mul3A_2, %add3A_58 : i32
    %dma_wait3A_60 = arith.constant 0 : i32
    %dma_wait3A_61 = arith.constant 0 : i32
    %dma_wait3A_62 = tpu.memref_slice %arg3[%add3A_59, %dma_wait3A_60, %dma_wait3A_61] : memref<4096x26x1000xf32, #tpu.memory_space<hbm>> -> memref<1x26x1000xf32, #tpu.memory_space<hbm>>
    %dma_wait3A_63 = arith.constant 0 : i32
    %dma_wait3A_64 = arith.constant 0 : i32
    %dma_wait3A_65 = tpu.memref_slice %arg3[%add3A_59, %dma_wait3A_63, %dma_wait3A_64] : memref<4096x26x1000xf32, #tpu.memory_space<hbm>> -> memref<1x26x1000xf32, #tpu.memory_space<hbm>>
    tpu.wait_dma2 semaphore(%arg8 : memref<!tpu.dma_semaphore, #tpu.memory_space<semaphore_mem>>) src(%arg6 : memref<1x26x1000xf32, #tpu.memory_space<vmem>>) dst(%dma_wait3A_65 : memref<1x26x1000xf32, #tpu.memory_space<hbm>>)
    return
  }
}

</mosaic_0001>

<sc_bundles>
// kernel: kernel.3.cloned.1.call-start
scs
__scs_entry_jumppad:
0x0: {  	(pc) =	sbr.rel $0x88, $3  }
0x1: {  	(tag) =	ssettag $0x0;
	lr =	simm.s32 $0x1  }
0x2: {  	[smem:$0x3FA0] =	sst lr;
	_ =	strace $0xD0000000  }
0x3: {  	_ = 	snop  }
0x4: {  	_ = 	snop  }
0x5: {  	_ = 	snop  }
0x6: {  	_ = 	snop  }
0x7: {  	_ = 	snop  }
__scs_overlays_trampoline_lowered:
0x8: {  	[smem:$0x3FAF] =	sst s0  }
0x9: {  	[smem:$0x3FB0] =	sst s1  }
0xa: {  	[smem:$0x3FB1] =	sst s2  }
0xb: {  	[smem:$0x3FB2] =	sst s3  }
0xc: {  	[smem:$0x3FB3] =	sst s4  }
0xd: {  	[smem:$0x3FB4] =	sst s5  }
0xe: {  	[smem:$0x3FB5] =	sst s6  }
0xf: {  	[smem:$0x3FB6] =	sst s7  }
0x10: {  	[smem:$0x3FB7] =	sst s8  }
0x11: {  	[smem:$0x3FB8] =	sst s9;
	s0 =	simm.s32 @!p0 $0x0  }
0x12: {  	s1 =	sld [smem:$0x3F9E];
	s0 =	simm.s32 @p0 $0x1  }
0x13: {  	[smem:$0x3FB9] =	sst s0;
	s0 =	simm.s32 @!p1 $0x0  }
0x14: {  	s2 =	sld [smem:$0x3F9D];
	s0 =	simm.s32 @p1 $0x1  }
0x15: {  	[smem:$0x3FBA] =	sst s0;
	s0 =	simm.s32 @!p2 $0x0  }
0x16: {  	s3 =	sld [smem:$0x3FDB];
	s0 =	simm.s32 @p2 $0x1  }
0x17: {  	s4 =	simm.s32 $0x1BF5;
	[smem:$0x3FBC] =	sst s0  }
0x18: {  	s0 =	sld [smem:$0x3F9F];
	_ =	swait.ge [sflag:s4], $0x0  }
0x19: {  	s7 =	sld [smem:$0x3FA0]  }
0x1a: {  	s8 =	sadd.s32 $0xFFFFE003, lr  }
0x1b: {  	s9 =	sadd.s32 $0xFFFFFEF7, lr;
	s5 =	simm.s32 $0xFFFFFFFF;
	p2 =	slt.u32 s8, $0xFFFFF086  }
0x1c: {  	p1 =	slt.u32 s9, $0xF7A;
	s5 =	simm.s32 @!p2 $0x0  }
0x1d: {  	s5 =	simm.s32 @p1 $0x1;
	p0 =	seq.s32 s7, s2  }
0x1e: {  	s7 =	smul.u32 @!p0 $0xF7A, s2;
	p2 =	seq.s32 @!p0 s5, $0x0  }
0x1f: {  	s9 =	smul.u32 $0xF7A, s1;
	s8 =	simm.s32 @!p0 $0x1BF5;
	p2 =	por !p2, p0  }
0x20: {  	[sflag:s8] =	ssyncset.s32 @!p0 $0xFFFFF086;
	s6 =	sadd.s32 @!p0 s3, s7;
	s7 =	simm.s32 @!p0 $0x108  }
0x21: {  	s3 =	sadd.s32 s3, s9;
	s6 =	sadd.s32 @!p0 $0x88, s6;
	s7 =	simm.s32 @p2 $0x1082  }
0x22: {  	[simem:s7], [sflag:s8] =	dma.local @!p0 [hbm:s6], $0xF7A  }
0x23: {  	s9 =	sor.u32 $0xD0000000, s2;
	s6 =	simm.s32 $0x108;
	_ =	swait.ge @!p0 [sflag:s8], $0x0  }
0x24: {  	s3 =	sadd.s32 $0x88, s3;
	s6 =	simm.s32 @!p1 $0x1082;
	[sflag:s4] =	ssyncset.s32 $0xFFFFF086  }
0x25: {  	[simem:s6], [sflag:s4] =	dma.local [hbm:s3], $0xF7A  }
0x26: {  	[smem:$0x3FA0] =	sst s1;
	(tag) =	ssettag s2;
	_ =	strace s9  }
0x27: {  	s1 =	sld [smem:$0x3FB0]  }
0x28: {  	s2 =	sld [smem:$0x3FB1]  }
0x29: {  	s4 =	sld [smem:$0x3FB3]  }
0x2a: {  	p0 =	seq.s32 s5, $0x0;
	s5 =	sld [smem:$0x3FB4]  }
0x2b: {  	s6 =	sld [smem:$0x3FB5]  }
0x2c: {  	s7 =	sld [smem:$0x3FB6]  }
0x2d: {  	s3 =	simm.s32 $0x108;
	s8 =	sld [smem:$0x3FB7]  }
0x2e: {  	s3 =	simm.s32 @!p0 $0x1082;
	s9 =	sld [smem:$0x3FB8]  }
0x2f: {  	lr =	sadd.s32 s0, s3;
	s0 =	sld [smem:$0x3FAF]  }
0x30: {  	s3 =	sld [smem:$0x3FB2]  }
0x31: {  	[smem:$0x3FBB] =	sst s10  }
0x32: {  	s10 =	sld [smem:$0x3FB9];
	_ =	sdelay $0x3  }
0x33: {  	p0 =	seq.s32 s10, $0x1;
	s10 =	sld [smem:$0x3FBB];
	_ =	sdelay $0x3  }
0x34: {  	[smem:$0x3FBB] =	sst s10  }
0x35: {  	s10 =	sld [smem:$0x3FBA];
	_ =	sdelay $0x3  }
0x36: {  	p1 =	seq.s32 s10, $0x1;
	s10 =	sld [smem:$0x3FBB];
	_ =	sdelay $0x3  }
0x37: {  	[smem:$0x3FBB] =	sst s10  }
0x38: {  	s10 =	sld [smem:$0x3FBC]  }
0x39: {  	_ = 	snop;
	(pc) =	sbr.ind lr, $3  }
0x3a: {  	_ = 	snop  }
0x3b: {  	_ = 	snop  }
0x3c: {  	p2 =	seq.s32 s10, $0x1;
	s10 =	sld [smem:$0x3FBB]  }
0x3d: {  	_ =	shalt  }
0x3e: {  	_ =	shalt  }
0x3f: {  	_ =	shalt  }
0x40: {  	_ =	shalt  }
0x41: {  	_ =	shalt  }
0x42: {  	_ =	shalt  }
0x43: {  	_ =	shalt  }
0x44: {  	_ =	shalt  }
0x45: {  	_ =	shalt  }
0x46: {  	_ =	shalt  }
0x47: {  	_ =	shalt  }
0x48: {  	_ =	shalt  }
0x49: {  	_ =	shalt  }
0x4a: {  	_ =	shalt  }
0x4b: {  	_ =	shalt  }
0x4c: {  	_ =	shalt  }
0x4d: {  	_ =	shalt  }
0x4e: {  	_ =	shalt  }
0x4f: {  	_ =	shalt  }
0x50: {  	_ =	shalt  }
0x51: {  	_ =	shalt  }
0x52: {  	_ =	shalt  }
0x53: {  	_ =	shalt  }
0x54: {  	_ =	shalt  }
0x55: {  	_ =	shalt  }
0x56: {  	_ =	shalt  }
0x57: {  	_ =	shalt  }
0x58: {  	_ =	shalt  }
0x59: {  	_ =	shalt  }
0x5a: {  	_ =	shalt  }
0x5b: {  	_ =	shalt  }
0x5c: {  	_ =	shalt  }
0x5d: {  	_ =	shalt  }
0x5e: {  	_ =	shalt  }
0x5f: {  	_ =	shalt  }
0x60: {  	_ =	shalt  }
0x61: {  	_ =	shalt  }
0x62: {  	_ =	shalt  }
0x63: {  	_ =	shalt  }
0x64: {  	_ =	shalt  }
0x65: {  	_ =	shalt  }
0x66: {  	_ =	shalt  }
0x67: {  	_ =	shalt  }
0x68: {  	_ =	shalt  }
0x69: {  	_ =	shalt  }
0x6a: {  	_ =	shalt  }
0x6b: {  	_ =	shalt  }
0x6c: {  	_ =	shalt  }
0x6d: {  	_ =	shalt  }
0x6e: {  	_ =	shalt  }
0x6f: {  	_ =	shalt  }
0x70: {  	_ =	shalt  }
0x71: {  	_ =	shalt  }
0x72: {  	_ =	shalt  }
0x73: {  	_ =	shalt  }
0x74: {  	_ =	shalt  }
0x75: {  	_ =	shalt  }
0x76: {  	_ =	shalt  }
0x77: {  	_ =	shalt  }
0x78: {  	_ =	shalt  }
0x79: {  	_ =	shalt  }
0x7a: {  	_ =	shalt  }
0x7b: {  	_ =	shalt  }
0x7c: {  	_ =	shalt  }
0x7d: {  	_ =	shalt  }
0x7e: {  	_ =	shalt  }
0x7f: {  	_ =	shalt  }
0x80: {  	_ =	shalt  }
0x81: {  	_ =	shalt  }
0x82: {  	_ =	shalt  }
0x83: {  	_ =	shalt  }
0x84: {  	_ =	shalt  }
0x85: {  	_ =	shalt  }
0x86: {  	_ =	shalt  }
0x87: {  	_ =	shalt  }
.Lfunc_end0:
.L_simem_size_0:
called_computation_lowered:
.L_overlay_start_0:
0x88: {  	s2 =	sld [smem:$0x3FD9]  }
0x89: {  	s3 =	sld [smem:$0x3FFE];
	_ =	sdelay $0x1  }
0x8a: {  	s1 =	srdreg.scid  }
0x8b: {  	s0 =	sand.u32 $0x1, s1  }
0x8c: {  	s17 =	sshll.u32 s0, $0xA;
	s2 =	sadd.s32 s3, s2  }
0x8d: {  	s2 =	sadd.s32 s2, s17  }
0x8e: {  	[smem:$0x3FC7] =	sst s2  }
0x8f: {  	_ = 	snop  }
0x90: {  	s2 =	sld [smem:$0x3FD0];
	(tm) =	ssettm $0x1  }
0x91: {  	s18 =	sld [smem:$0x3FFB];
	_ =	sdelay $0x3  }
0x92: {  	_ =	strace s18  }
0x93: {  	s3 =	sld [smem:$0x3FFC];
	_ =	sdelay $0x3  }
0x94: {  	_ =	strace s3  }
0x95: {  	s3 =	sld [smem:$0x3FFD];
	_ =	sdelay $0x3  }
0x96: {  	_ =	strace s3  }
0x97: {  	_ =	strace $0x8FFFFFFF  }
0x98: {  	s19 =	sld [smem:$0x3FDB];
	_ =	sdelay $0x1  }
0x99: {  	s4 =	simm.s32 $_scs_section_size  }
0x9a: {  	s5 =	simm.s32 $_size__tile_overlayer_lowered;
	s6 =	simm.s32 $_tile_overlayer_lowered  }
0x9b: {  	s22 =	simm.s32 $0x1BFF;
	s21 =	sshll.u32 s6, $0x1;
	s3 =	sadd.s32 s4, s19  }
0x9c: {  	s7 =	simm.s32 $0x0;
	s20 =	sshll.u32 s5, $0x1;
	s5 =	sadd.s32 s21, s3  }
0x9d: {  	[timem:s7], [sflag:s22] =	dma.local [hbm:s5], s20  }
0x9e: {  	_ =	swait.ge [sflag:s22], s20  }
0x9f: {  	s4 =	ssub.s32 $0x0, s20;
	[sflag:s22] =	ssyncset.done $0x0  }
0xa0: {  	[sflag:s22] =	ssyncadd.s32 s4;
	_ =	sdelay $0x1  }
0xa1: {  	s23 =	simm.s32 $0x1B8B  }
0xa2: {  	_ =	swait.ge [sflag:s23], $0x1  }
0xa3: {  	[sflag:s23] =	ssyncset.done $0x0  }
0xa4: {  	s25 =	simm.s32 $0x1B8E;
	s24 =	sld [smem:$0x3FFE];
	[sflag:s23] =	ssyncadd.s32 $0xFFFFFFFF  }
0xa5: {  	s26 =	simm.s32 $execute0_lowered;
	[smem:$0x3FD2] =	sst s25  }
0xa6: {  	s5 =	sshll.u32 s26, $0x1;
	_ =	strace $0x80000046;
	[dreg:$0x1] =	wrdreg $0xFFFFFFFF  }
0xa7: {  	s28 =	simm.s32 $_size_execute0_lowered;
	s3 =	sadd.s32 s3, s5;
	[dreg:$0x0] =	wrdreg $0x0  }
0xa8: {  	s5 =	sshll.u32 s28, $0x1;
	[dreg:$0x2] =	wrdreg s3  }
0xa9: {  	[dreg:$0x3] =	wrdreg s5  }
0xaa: {  	[dreg:$0x4] =	wrdreg $0xC0  }
0xab: {  	_ =	task [dreg:s7], $0x5FFFF  }
0xac: {  	[dreg:$0x1] =	wrdreg $0xFFFFFFFF  }
0xad: {  	[dreg:$0x0] =	wrdreg $0x60  }
0xae: {  	[dreg:$0x2] =	wrdreg s2  }
0xaf: {  	[dreg:$0x3] =	wrdreg s24  }
0xb0: {  	[dreg:$0x4] =	wrdreg $0x9  }
0xb1: {  	_ =	task.clear_ibuf [dreg:s7], $0x5FFFF;
	_ =	strace $0x90000046  }
0xb2: {  	s29 =	simm.s32 $0x9;
	_ =	strace $0x80000048  }
0xb3: {  	_ =	swait.ge [sflag:s29], $0x1  }
0xb4: {  	[sflag:s29] =	ssyncadd.s32 $0xFFFFFFFF  }
0xb5: {  	_ =	strace $0x90000048  }
0xb6: {  	_ =	sfence  }
0xb7: {  	s30 =	sld [smem:$0x0];
	_ =	sdelay $0x2  }
0xb8: {  	s31 =	sshll.u32 s1, $0xD;
	s1 =	sshrl.u32 s1, $0x2  }
0xb9: {  	s3 =	sand.u32 $0x4000, s31;
	s1 =	sadd.s32 s1, s30  }
0xba: {  	s0 =	sor.u32 s3, s0;
	s1 =	sshll.u32 s1, $0x11  }
0xbb: {  	s0 =	sor.u32 s1, s0  }
0xbc: {  	s0 =	sadd.s32 $0x8F2B, s0  }
0xbd: {  	[sflag:s0] =	ssyncadd.remote.s32 $0x1  }
0xbe: {  	_ =	sfence.sel $0xFFFF  }
0xbf: {  	[dreg:$0x0] =	wrdreg $0xFFFFFFFF;
	(pc) =	sbr.abs _section_cstart, $3  }
0xc0: {  	[dreg:$0x1] =	wrdreg $0xFFFFFFFF  }
0xc1: {  	_ =	task.clear_ibuf [dreg:s7], $0x2FFFF;
	_ =	strace $0x9FFFFFFF  }
0xc2: {  	(tm) =	ssettm $0x7FFFFFFF  }
0xc3: {  	_ =	shalt  }
tec
execute0_lowered:
.L_overlay_start_1:
0x0: {  	(tag) =	ssettag $0x1  }
0x1: {  	v0 =	vimm.f32 $0.0e+00  }
0x2: {  	vm0 =	vcmask $0x300;
	v1 =	vimm.s32 $0x2380;
	v2 =	vimm.s32 $0x6080  }
0x3: {  	vm1 =	vcmask $0x704;
	v1 =	vsel vm0, $0x0, v1;
	v2 =	vsel vm0, $0x2100, v2  }
0x4: {  	vm15 =	vcmask $0xB08;
	v1 =	vsel vm1, $0x80, v1;
	v2 =	vsel vm1, $0x2180, v2  }
0x5: {  	s4 =	rddreg [dreg:$0x0];
	vm4 =	vcmask $0xF0C;
	v1 =	vsel vm15, $0x100, v1;
	v2 =	vsel vm15, $0x2200, v2  }
0x6: {  	s3 =	rddreg [dreg:$0x1];
	vm5 =	vcmask $0x1310;
	v1 =	vsel vm4, $0x180, v1;
	v2 =	vsel vm4, $0x2280, v2  }
0x7: {  	s0 =	rddreg [dreg:$0x2];
	vm6 =	vcmask $0x1714;
	v1 =	vsel vm5, $0x200, v1;
	v2 =	vsel vm5, $0x2300, v2  }
0x8: {  	s2 =	simm.s32 $0x0;
	s5 =	srdreg.scid;
	s1 =	stileid.u32;
	vm7 =	vcmask $0x1B18;
	v1 =	vsel vm6, $0x280, v1;
	v2 =	vsel vm6, $0x2380, v2  }
0x9: {  	vm8 =	vcmask $0x1F1C;
	s11 =	simm.s32 $0x8D00;
	s12 =	simm.s32 $0x1;
	s13 =	simm.s32 $0x2;
	v1 =	vsel vm7, $0x300, v1;
	v2 =	vsel vm7, $0x4000, v2  }
0xa: {  	vm9 =	vcmask $0x2320;
	s14 =	simm.s32 $0x0;
	[smem:$0x7FF] =	sst s2;
	s5 =	sand.u32 $0x1, s5;
	v1 =	vsel vm8, $0x380, v1;
	v2 =	vsel vm8, $0x4080, v2  }
0xb: {  	vm10 =	vcmask $0x2724;
	s6 =	sshll.u32 s1, $0x1;
	s8 =	sadd.s32 $0x400, s3;
	s10 =	sshll.u32 s1, $0x14;
	v1 =	vsel vm9, $0x2000, v1;
	v2 =	vsel vm9, $0x4100, v2  }
0xc: {  	vm11 =	vcmask $0x2B28;
	_ =	strace $0x80000047;
	s7 =	ssub.s32 $0x2, s5;
	s6 =	sor.u32 s5, s6;
	v1 =	vsel vm10, $0x2080, v1;
	v2 =	vsel vm10, $0x4180, v2  }
0xd: {  	vm12 =	vcmask $0x2F2C;
	s5 =	sshll.u32 s5, $0x13;
	s30 =	sshrl.u32 s7, $0x1;
	s9 =	smul.u32 $0x1A0, s6;
	v1 =	vsel vm11, $0x2100, v1;
	v2 =	vsel vm11, $0x4200, v2  }
0xe: {  	vm13 =	vcmask $0x3330;
	s6 =	sshll.u32 s6, $0x13;
	s31 =	sor.u32 s5, s10;
	s10 =	simm.s32 $0xD00;
	v1 =	vsel vm12, $0x2180, v1;
	v2 =	vsel vm12, $0x4280, v2  }
0xf: {  	vm14 =	vcmask $0x3734;
	s7 =	ssub.s32 s7, s30;
	s3 =	sadd.s32 s8, s6;
	s8 =	sadd.s32 s31, s8;
	v1 =	vsel vm13, $0x2200, v1;
	v2 =	vsel vm13, $0x4300, v2  }
0x10: {  	vm15 =	vcmask $0x3B38;
	s4 =	sadd.s32 s4, s9;
	s5 =	sadd.s32 $0x1000, s3;
	s6 =	smax.u32 s7, $0x1;
	v1 =	vsel vm14, $0x2280, v1;
	v3 =	vsel vm14, $0x4380, v2  }
0x11: {  	s7 =	sadd.s32 $0x2000, s8;
	s8 =	sadd.s32 $0x3000, s8;
	s9 =	simm.s32 $0x3;
	v2 =	vimm.f32 $1.000000000e+00;
	v1 =	vsel vm15, $0x2300, v1;
	v3 =	vsel vm15, $0x6000, v3  }
.LBB2_1:
0x12: {  	[tilespmem:s2], [sflag:$0x3] =	stream.linear.gather [hbm4b:s4+s2], $0xD00, $0x38;
	[tilespmem:$0x10D00] =	vst v63  }
0x13: {  	_ =	swait.ge [sflag:s9], $0xD00  }
0x14: {  	s15 =	simm.s32 $0xFFFF9800;
	s16 =	simm.s32 $0x0;
	[sflag:s9] =	ssyncset.done $0x0  }
0x15: {  	s17 =	simm.s32 $0x0;
	s18 =	simm.s32 $0x0;
	[sflag:s9] =	ssyncadd.s32 $0xFFFFF300  }
.LBB2_2:
0x16: {  	s19 =	sadd.s32 $0x6800, s15  }
0x17: {  	s20 =	sand.u32 $0x380, s18;
	s19 =	sand.u32 $0x6000, s19  }
0x18: {  	s19 =	sor.u32 s20, s19  }
0x19: {  	[tilespmem:s19+$0xD00] =	vst v0  }
0x1a: {  	[tilespmem:s19+$0xD10] =	vst v0  }
0x1b: {  	[tilespmem:s19+$0xD20] =	vst v0  }
0x1c: {  	[tilespmem:s19+$0xD30] =	vst v0  }
0x1d: {  	[tilespmem:s19+$0xD40] =	vst v0  }
0x1e: {  	[tilespmem:s19+$0xD50] =	vst v0  }
0x1f: {  	[tilespmem:s19+$0xD60] =	vst v0  }
0x20: {  	[tilespmem:s19+$0xD70] =	vst v0  }
0x21: {  	[tilespmem:s19+$0x1100] =	vst v0  }
0x22: {  	[tilespmem:s19+$0x1110] =	vst v0  }
0x23: {  	[tilespmem:s19+$0x1120] =	vst v0  }
0x24: {  	[tilespmem:s19+$0x1130] =	vst v0  }
0x25: {  	[tilespmem:s19+$0x1140] =	vst v0  }
0x26: {  	[tilespmem:s19+$0x1150] =	vst v0  }
0x27: {  	[tilespmem:s19+$0x1160] =	vst v0  }
0x28: {  	[tilespmem:s19+$0x1170] =	vst v0  }
0x29: {  	[tilespmem:s19+$0x1500] =	vst v0  }
0x2a: {  	[tilespmem:s19+$0x1510] =	vst v0  }
0x2b: {  	[tilespmem:s19+$0x1520] =	vst v0  }
0x2c: {  	[tilespmem:s19+$0x1530] =	vst v0  }
0x2d: {  	[tilespmem:s19+$0x1540] =	vst v0  }
0x2e: {  	[tilespmem:s19+$0x1550] =	vst v0  }
0x2f: {  	[tilespmem:s19+$0x1560] =	vst v0  }
0x30: {  	[tilespmem:s19+$0x1570] =	vst v0  }
0x31: {  	[tilespmem:s19+$0x1900] =	vst v0  }
0x32: {  	[tilespmem:s19+$0x1910] =	vst v0  }
0x33: {  	[tilespmem:s19+$0x1920] =	vst v0  }
0x34: {  	[tilespmem:s19+$0x1930] =	vst v0  }
0x35: {  	[tilespmem:s19+$0x1940] =	vst v0  }
0x36: {  	[tilespmem:s19+$0x1950] =	vst v0  }
0x37: {  	[tilespmem:s19+$0x1960] =	vst v0  }
0x38: {  	[tilespmem:s19+$0x1970] =	vst v0  }
0x39: {  	[tilespmem:s19+$0x1D00] =	vst v0  }
0x3a: {  	[tilespmem:s19+$0x1D10] =	vst v0  }
0x3b: {  	[tilespmem:s19+$0x1D20] =	vst v0  }
0x3c: {  	[tilespmem:s19+$0x1D30] =	vst v0  }
0x3d: {  	[tilespmem:s19+$0x1D40] =	vst v0  }
0x3e: {  	[tilespmem:s19+$0x1D50] =	vst v0  }
0x3f: {  	[tilespmem:s19+$0x1D60] =	vst v0  }
0x40: {  	[tilespmem:s19+$0x1D70] =	vst v0  }
0x41: {  	[tilespmem:s19+$0x2100] =	vst v0  }
0x42: {  	[tilespmem:s19+$0x2110] =	vst v0  }
0x43: {  	[tilespmem:s19+$0x2120] =	vst v0  }
0x44: {  	[tilespmem:s19+$0x2130] =	vst v0  }
0x45: {  	[tilespmem:s19+$0x2140] =	vst v0  }
0x46: {  	[tilespmem:s19+$0x2150] =	vst v0  }
0x47: {  	[tilespmem:s19+$0x2160] =	vst v0  }
0x48: {  	[tilespmem:s19+$0x2170] =	vst v0  }
0x49: {  	[tilespmem:s19+$0x2500] =	vst v0  }
0x4a: {  	[tilespmem:s19+$0x2510] =	vst v0  }
0x4b: {  	[tilespmem:s19+$0x2520] =	vst v0  }
0x4c: {  	[tilespmem:s19+$0x2530] =	vst v0  }
0x4d: {  	s31 =	sand.u32 $0x7, s16;
	[tilespmem:s19+$0x2540] =	vst v0  }
0x4e: {  	s20 =	sshll.u32 s31, $0x7;
	[tilespmem:s19+$0x2550] =	vst v0  }
0x4f: {  	s25 =	sadd.s32 s20, s17;
	[tilespmem:s19+$0x2560] =	vst v0  }
0x50: {  	[tilespmem:s19+$0x2570] =	vst v0;
	s20 =	sor.u32 $0x1C00, s25  }
0x51: {  	s21 =	sor.u32 $0x1C10, s25;
	[tilespmem:s20+$0xD00] =	vst v0  }
0x52: {  	s22 =	sor.u32 $0x1C20, s25;
	[tilespmem:s21+$0xD00] =	vst v0  }
0x53: {  	s23 =	sor.u32 $0x1C30, s25;
	[tilespmem:s22+$0xD00] =	vst v0  }
0x54: {  	s24 =	sor.u32 $0x1C40, s25;
	[tilespmem:s23+$0xD00] =	vst v0  }
0x55: {  	s26 =	sor.u32 $0x1C50, s25;
	[tilespmem:s24+$0xD00] =	vst v0  }
0x56: {  	s25 =	sor.u32 $0x1C58, s25;
	[tilespmem:s26+$0xD00] =	vst v0  }
0x57: {  	[tilespmem:s25+$0xD00] =	vst v0  }
0x58: {  	[tilespmem:s19+$0x8D00] =	vst v0  }
0x59: {  	[tilespmem:s19+$0x8D10] =	vst v0  }
0x5a: {  	[tilespmem:s19+$0x8D20] =	vst v0  }
0x5b: {  	[tilespmem:s19+$0x8D30] =	vst v0  }
0x5c: {  	[tilespmem:s19+$0x8D40] =	vst v0  }
0x5d: {  	[tilespmem:s19+$0x8D50] =	vst v0  }
0x5e: {  	[tilespmem:s19+$0x8D60] =	vst v0  }
0x5f: {  	[tilespmem:s19+$0x8D70] =	vst v0  }
0x60: {  	[tilespmem:s19+$0x9100] =	vst v0  }
0x61: {  	[tilespmem:s19+$0x9110] =	vst v0  }
0x62: {  	[tilespmem:s19+$0x9120] =	vst v0  }
0x63: {  	[tilespmem:s19+$0x9130] =	vst v0  }
0x64: {  	[tilespmem:s19+$0x9140] =	vst v0  }
0x65: {  	[tilespmem:s19+$0x9150] =	vst v0  }
0x66: {  	[tilespmem:s19+$0x9160] =	vst v0  }
0x67: {  	[tilespmem:s19+$0x9170] =	vst v0  }
0x68: {  	[tilespmem:s19+$0x9500] =	vst v0  }
0x69: {  	[tilespmem:s19+$0x9510] =	vst v0  }
0x6a: {  	[tilespmem:s19+$0x9520] =	vst v0  }
0x6b: {  	[tilespmem:s19+$0x9530] =	vst v0  }
0x6c: {  	[tilespmem:s19+$0x9540] =	vst v0  }
0x6d: {  	[tilespmem:s19+$0x9550] =	vst v0  }
0x6e: {  	[tilespmem:s19+$0x9560] =	vst v0  }
0x6f: {  	[tilespmem:s19+$0x9570] =	vst v0  }
0x70: {  	[tilespmem:s19+$0x9900] =	vst v0  }
0x71: {  	[tilespmem:s19+$0x9910] =	vst v0  }
0x72: {  	[tilespmem:s19+$0x9920] =	vst v0  }
0x73: {  	[tilespmem:s19+$0x9930] =	vst v0  }
0x74: {  	[tilespmem:s19+$0x9940] =	vst v0  }
0x75: {  	[tilespmem:s19+$0x9950] =	vst v0  }
0x76: {  	[tilespmem:s19+$0x9960] =	vst v0  }
0x77: {  	[tilespmem:s19+$0x9970] =	vst v0  }
0x78: {  	[tilespmem:s19+$0x9D00] =	vst v0  }
0x79: {  	[tilespmem:s19+$0x9D10] =	vst v0  }
0x7a: {  	[tilespmem:s19+$0x9D20] =	vst v0  }
0x7b: {  	[tilespmem:s19+$0x9D30] =	vst v0  }
0x7c: {  	[tilespmem:s19+$0x9D40] =	vst v0  }
0x7d: {  	[tilespmem:s19+$0x9D50] =	vst v0  }
0x7e: {  	[tilespmem:s19+$0x9D60] =	vst v0  }
0x7f: {  	[tilespmem:s19+$0x9D70] =	vst v0  }
0x80: {  	[tilespmem:s19+$0xA100] =	vst v0  }
0x81: {  	[tilespmem:s19+$0xA110] =	vst v0  }
0x82: {  	[tilespmem:s19+$0xA120] =	vst v0  }
0x83: {  	[tilespmem:s19+$0xA130] =	vst v0  }
0x84: {  	[tilespmem:s19+$0xA140] =	vst v0  }
0x85: {  	[tilespmem:s19+$0xA150] =	vst v0  }
0x86: {  	[tilespmem:s19+$0xA160] =	vst v0  }
0x87: {  	[tilespmem:s19+$0xA170] =	vst v0  }
0x88: {  	[tilespmem:s19+$0xA500] =	vst v0  }
0x89: {  	[tilespmem:s19+$0xA510] =	vst v0  }
0x8a: {  	[tilespmem:s19+$0xA520] =	vst v0  }
0x8b: {  	[tilespmem:s19+$0xA530] =	vst v0  }
0x8c: {  	[tilespmem:s19+$0xA540] =	vst v0  }
0x8d: {  	[tilespmem:s19+$0xA550] =	vst v0  }
0x8e: {  	[tilespmem:s19+$0xA560] =	vst v0  }
0x8f: {  	[tilespmem:s19+$0xA570] =	vst v0  }
0x90: {  	[tilespmem:s20+$0x8D00] =	vst v0  }
0x91: {  	p0 =	sne.s32 s18, $0xC80;
	[tilespmem:s21+$0x8D00] =	vst v0  }
.Ltmp0:
0x92: {  	[tilespmem:s22+$0x8D00] =	vst v0;
	(pc) =	sbr.rel @p0 .LBB2_2-.Ltmp0, $4  }
0x93: {  	[tilespmem:s23+$0x8D00] =	vst v0  }
0x94: {  	[tilespmem:s24+$0x8D00] =	vst v0  }
0x95: {  	s16 =	sadd.s32 $0x1, s16;
	[tilespmem:s26+$0x8D00] =	vst v0  }
0x96: {  	s15 =	sadd.s32 $0x400, s15;
	s18 =	sadd.s32 $0x80, s18;
	s17 =	sadd.s32 $0x400, s17;
	[tilespmem:s25+$0x8D00] =	vst v0  }
0x97: {  	v4 =	vld [tilespmem:$0x0]  }
0x98: {  	v5 =	vld [tilespmem:$0xA];
	_ =	sdelay $0x3  }
0x99: {  	v6 =	vshll.u32 v4, $0x3  }
0x9a: {  	v4 =	vand.u32 $0x7F, v4;
	v7 =	vshll.u32 v5, $0x3;
	v6 =	vand.u32 $0xFFFFFC00, v6  }
0x9b: {  	v5 =	vand.u32 $0x7F, v5;
	v60 =	vand.u32 $0xFFFFFC00, v7;
	v4 =	vor.u32 v4, v6  }
0x9c: {  	v5 =	vor.u32 v5, v60;
	v4 =	vadd.s32 v1, v4  }
0x9d: {  	v5 =	vadd.s32 v3, v5;
	_ =	sdelay $0x3  }
0x9e: {  	[tilespmem:v4+s10+$0x0] =	vst.idx.msk $0xffff, v2  }
0x9f: {  	s15 =	simm.s32 $0x0;
	[tilespmem:v5+s10+$0x0] =	vst.idx.msk $0xffff, v2  }
0xa0: {  	[hbm4b:s3+s15] =	stream.linear.scatter [tilespmem:s10], [sflag:$0x1], $0x8000, $0x38;
	[tilespmem:$0x10D00] =	vst v63  }
0xa1: {  	v4 =	vld [tilespmem:$0x1A]  }
0xa2: {  	v5 =	vld [tilespmem:$0x24];
	_ =	sdelay $0x3  }
0xa3: {  	v61 =	vshll.u32 v4, $0x3  }
0xa4: {  	v4 =	vand.u32 $0x7F, v4;
	v62 =	vshll.u32 v5, $0x3;
	v6 =	vand.u32 $0xFFFFFC00, v61  }
0xa5: {  	v5 =	vand.u32 $0x7F, v5;
	v63 =	vand.u32 $0xFFFFFC00, v62;
	v4 =	vor.u32 v4, v6  }
0xa6: {  	v5 =	vor.u32 v5, v63;
	v4 =	vadd.s32 v1, v4  }
0xa7: {  	v5 =	vadd.s32 v3, v5;
	_ =	sdelay $0x3  }
0xa8: {  	[tilespmem:v4+s11+$0x0] =	vst.idx.msk $0xffff, v2  }
0xa9: {  	s16 =	simm.s32 $0x34;
	[tilespmem:v5+s11+$0x0] =	vst.idx.msk $0xffff, v2  }
0xaa: {  	[hbm4b:s5+s15] =	stream.linear.scatter [tilespmem:s11], [sflag:$0x2], $0x8000, $0x38;
	[tilespmem:$0x10D00] =	vst v63  }
.LBB2_4:
0xab: {  	_ =	swait.ge [sflag:s12], $0x8000  }
0xac: {  	[sflag:s12] =	ssyncset.done $0x0  }
0xad: {  	[sflag:s12] =	ssyncadd.s32 $0xFFFF8000  }
0xae: {  	v4 =	vld [tilespmem:s16+$0xFFFFFFCC]  }
0xaf: {  	v5 =	vld [tilespmem:s16+$0xFFFFFFD6];
	_ =	sdelay $0x3  }
0xb0: {  	v6 =	vshll.u32 v4, $0x3  }
0xb1: {  	v4 =	vand.u32 $0x7F, v4;
	v7 =	vshll.u32 v5, $0x3;
	v6 =	vand.u32 $0xFFFFFC00, v6  }
0xb2: {  	v5 =	vand.u32 $0x7F, v5;
	v54 =	vand.u32 $0xFFFFFC00, v7;
	v4 =	vor.u32 v4, v6  }
0xb3: {  	v5 =	vor.u32 v5, v54;
	v4 =	vadd.s32 v1, v4  }
0xb4: {  	v5 =	vadd.s32 v3, v5;
	_ =	sdelay $0x3  }
0xb5: {  	[tilespmem:v4+s10+$0x0] =	vst.idx.msk $0xffff, v0  }
0xb6: {  	[tilespmem:v5+s10+$0x0] =	vst.idx.msk $0xffff, v0  }
0xb7: {  	v4 =	vld [tilespmem:s16+$0x0]  }
0xb8: {  	v5 =	vld [tilespmem:s16+$0xA];
	_ =	sdelay $0x3  }
0xb9: {  	v55 =	vshll.u32 v4, $0x3  }
0xba: {  	v4 =	vand.u32 $0x7F, v4;
	v56 =	vshll.u32 v5, $0x3;
	v6 =	vand.u32 $0xFFFFFC00, v55  }
0xbb: {  	v5 =	vand.u32 $0x7F, v5;
	v57 =	vand.u32 $0xFFFFFC00, v56;
	v4 =	vor.u32 v4, v6  }
0xbc: {  	v5 =	vor.u32 v5, v57;
	v4 =	vadd.s32 v1, v4  }
0xbd: {  	v5 =	vadd.s32 v3, v5;
	_ =	sdelay $0x3  }
0xbe: {  	[tilespmem:v4+s10+$0x0] =	vst.idx.msk $0xffff, v2  }
0xbf: {  	s17 =	sadd.s32 s15, s7;
	[tilespmem:v5+s10+$0x0] =	vst.idx.msk $0xffff, v2  }
0xc0: {  	[hbm4b:s17+s2] =	stream.linear.scatter [tilespmem:s10], [sflag:$0x1], $0x8000, $0x38;
	[tilespmem:$0x10D00] =	vst v63  }
0xc1: {  	_ =	swait.ge [sflag:s13], $0x8000  }
0xc2: {  	[sflag:s13] =	ssyncset.done $0x0  }
0xc3: {  	[sflag:s13] =	ssyncadd.s32 $0xFFFF8000  }
0xc4: {  	v4 =	vld [tilespmem:s16+$0xFFFFFFE6]  }
0xc5: {  	v5 =	vld [tilespmem:s16+$0xFFFFFFF0];
	_ =	sdelay $0x3  }
0xc6: {  	v58 =	vshll.u32 v4, $0x3  }
0xc7: {  	v4 =	vand.u32 $0x7F, v4;
	v59 =	vshll.u32 v5, $0x3;
	v6 =	vand.u32 $0xFFFFFC00, v58  }
0xc8: {  	v5 =	vand.u32 $0x7F, v5;
	v60 =	vand.u32 $0xFFFFFC00, v59;
	v4 =	vor.u32 v4, v6  }
0xc9: {  	v5 =	vor.u32 v5, v60;
	v4 =	vadd.s32 v1, v4  }
0xca: {  	v5 =	vadd.s32 v3, v5;
	_ =	sdelay $0x3  }
0xcb: {  	[tilespmem:v4+s11+$0x0] =	vst.idx.msk $0xffff, v0  }
0xcc: {  	[tilespmem:v5+s11+$0x0] =	vst.idx.msk $0xffff, v0  }
0xcd: {  	v4 =	vld [tilespmem:s16+$0x1A]  }
0xce: {  	v5 =	vld [tilespmem:s16+$0x24];
	_ =	sdelay $0x3  }
0xcf: {  	v61 =	vshll.u32 v4, $0x3  }
0xd0: {  	v4 =	vand.u32 $0x7F, v4;
	v62 =	vshll.u32 v5, $0x3;
	v6 =	vand.u32 $0xFFFFFC00, v61  }
0xd1: {  	v5 =	vand.u32 $0x7F, v5;
	v63 =	vand.u32 $0xFFFFFC00, v62;
	v4 =	vor.u32 v4, v6  }
0xd2: {  	v5 =	vor.u32 v5, v63;
	v4 =	vadd.s32 v1, v4  }
0xd3: {  	v5 =	vadd.s32 v3, v5  }
0xd4: {  	p0 =	sne.s32 s15, $0x7C000  }
.Ltmp1:
0xd5: {  	_ = 	snop;
	(pc) =	sbr.rel @p0 .LBB2_4-.Ltmp1, $4  }
0xd6: {  	_ = 	snop  }
0xd7: {  	[tilespmem:v4+s11+$0x0] =	vst.idx.msk $0xffff, v2  }
0xd8: {  	s31 =	sadd.s32 s15, s8;
	s15 =	sadd.s32 $0x2000, s15;
	s16 =	sadd.s32 $0x34, s16;
	[tilespmem:v5+s11+$0x0] =	vst.idx.msk $0xffff, v2  }
0xd9: {  	[hbm4b:s31+s2] =	stream.linear.scatter [tilespmem:s11], [sflag:$0x2], $0x8000, $0x38;
	[tilespmem:$0x10D00] =	vst v63  }
0xda: {  	s14 =	sadd.s32 $0x1, s14  }
0xdb: {  	_ =	swait.ge [sflag:s12], $0x8000;
	p0 =	sne.s32 s14, s6  }
.Ltmp2:
0xdc: {  	[sflag:s12] =	ssyncset.done $0x0;
	(pc) =	sbr.rel @p0 .LBB2_1-.Ltmp2, $4  }
0xdd: {  	[sflag:s12] =	ssyncadd.s32 $0xFFFF8000  }
0xde: {  	_ =	swait.ge [sflag:s13], $0x8000  }
0xdf: {  	[sflag:s13] =	ssyncset.done $0x0  }
0xe0: {  	[sflag:s13] =	ssyncadd.s32 $0xFFFF8000  }
0xe1: {  	_ =	sfence.sel $0x180000  }
0xe2: {  	[bflag:$0x0] =	sbarrier.arrive $0xFFFF  }
0xe3: {  	p0 =	sne.s32 s1, $0x0;
	_ =	strace $0x90000047  }
0xe4: {  	s0 =	sadd.s32 @!p0 $0x100000, s0;
	[bflag:$0x2] =	sbarrier.arrive $0xFFFF  }
0xe5: {  	[sflag:s0] =	ssyncadd.tile.s32 @!p0 $0x1;
	_ =	shalt  }
.Lfunc_end2:
_tile_overlayer_lowered:
.L_overlay_start_2:
0xe6: {  	(tag) =	ssettag $0x2  }
0xe7: {  	s0 =	rddreg [dreg:$0x0];
	s2 =	stileid.u32  }
0xe8: {  	s1 =	rddreg [dreg:$0x1];
	p0 =	sne.s32 s2, $0x0  }
0xe9: {  	s3 =	rddreg [dreg:$0x2];
	[bflag:$0x3] =	sbarrier.arrive $0xFFFF;
	s2 =	simm.s32 @!p0 $0x1C03  }
0xea: {  	[timem:s3], [sflag:s2] =	dma.local @!p0 [hbm:s0], s1  }
0xeb: {  	s0 =	simm.s32 @!p0 $0x3  }
0xec: {  	_ =	swait.ge @!p0 [sflag:s0], s1  }
0xed: {  	s1 =	ssub.s32 @!p0 $0x0, s1;
	[sflag:s0] =	ssyncset.done @!p0 $0x0  }
0xee: {  	[sflag:s0] =	ssyncadd.s32 @!p0 s1  }
0xef: {  	[bflag:$0x3] =	sbarrier.arrive $0xFFFF  }
0xf0: {  	_ =	shalt  }

</sc_bundles>
